<compile_context>
chip_gen: v7x
topology: tpu7x:2x2x1
jax: 0.10.2.dev20260603
libtpu: 0.0.44.dev20260713+nightly
codegen_flags: <defaults>
</compile_context>

<pallas_src>
import functools
import jax
import jax.numpy as jnp
import numpy as np
from jax import lax
from jax.experimental import pallas as pl
from jax.experimental.pallas import tpu as pltpu
from jax.experimental.pallas import tpu_sc as plsc

B = 4
S = 512
D = 1536
H = 12
HD = D // H
C = 256
E = 1024
THRESH = 0.9
_SCALE = 1.0 / np.sqrt(HD)


def _erf(x):
    a1, a2, a3, a4, a5 = (0.254829592, -0.284496736, 1.421413741,
                          -1.453152027, 1.061405429)
    p = 0.3275911
    sgn = jnp.where(x < 0.0, -1.0, 1.0)
    ax = jnp.abs(x)
    t = 1.0 / (1.0 + p * ax)
    poly = ((((a5 * t + a4) * t + a3) * t + a2) * t + a1) * t
    y = 1.0 - poly * jnp.exp(-ax * ax)
    return sgn * y


def _gelu_exact(x):
    return 0.5 * x * (1.0 + _erf(x * np.float32(1.0 / np.sqrt(2.0))))


def _idx_kernel(bnd_ref, idx_ref):
    row = jax.lax.broadcasted_iota(jnp.int32, (S, S), 0)
    col = jax.lax.broadcasted_iota(jnp.int32, (S, S), 1)
    tri_low = (col <= row).astype(jnp.float32)
    slot_lane = 1.0 + jax.lax.broadcasted_iota(jnp.int32, (1, C), 1).astype(jnp.float32)
    ones_row = jnp.ones((1, S), jnp.float32)
    for b in range(B):
        m = (bnd_ref[b] > THRESH).astype(jnp.float32)
        cid_col = jnp.sum(tri_low * m, axis=1, keepdims=True)
        onehotT = (cid_col == slot_lane).astype(jnp.float32)
        lens_lane = jnp.dot(ones_row, onehotT,
                            preferred_element_type=jnp.float32)
        idx_ref[pl.ds(b, 1), :] = jnp.minimum(lens_lane, float(E - 1)).astype(jnp.int32)


def _sc_stage(idx, size_emb):
    mesh = plsc.VectorSubcoreMesh(core_axis_name="c", subcore_axis_name="s")

    @functools.partial(
        pl.kernel, mesh=mesh,
        out_type=jax.ShapeDtypeStruct((B * C, D), jnp.float32),
        scratch_types=[
            pltpu.VMEM((32,), jnp.int32),
            pltpu.VMEM((32, D), jnp.float32),
            pltpu.SemaphoreType.DMA,
        ],
    )
    def k(idx_hbm, semb_hbm, out_hbm, idx_v, rows_v, sem):
        c = lax.axis_index("c")
        s = lax.axis_index("s")
        base = (c * 16 + s) * 32
        pltpu.sync_copy(idx_hbm.at[pl.ds(base, 32)], idx_v)
        pltpu.async_copy(semb_hbm.at[idx_v], rows_v, sem).wait()
        pltpu.sync_copy(rows_v, out_hbm.at[pl.ds(base, 32)])

    return k(idx, size_emb)


def _attn_kernel(x_ref, bnd_ref, winT_ref, bin_ref, woutT_ref, bout_ref,
                 means_ref):
    xb = x_ref[0]
    m = (bnd_ref[0] > THRESH).astype(jnp.float32)

    row = jax.lax.broadcasted_iota(jnp.int32, (S, S), 0)
    col = jax.lax.broadcasted_iota(jnp.int32, (S, S), 1)
    tri_low = (col <= row).astype(jnp.float32)
    cid_col = jnp.sum(tri_low * m, axis=1, keepdims=True)
    tri_up = (row <= col).astype(jnp.float32)
    cid_lane = jnp.dot(m, tri_up, preferred_element_type=jnp.float32)
    allowedf = (cid_col == cid_lane).astype(jnp.float32)

    qkv = jax.lax.dot_general(xb, winT_ref[...], (((1,), (1,)), ((), ())),
                              preferred_element_type=jnp.float32)
    qkv = qkv + bin_ref[0]
    qs = qkv[:, :D] * _SCALE

    o_parts = []
    for h in range(H):
        qh = qs[:, h * HD:(h + 1) * HD].astype(jnp.bfloat16)
        kh = qkv[:, D + h * HD:D + (h + 1) * HD].astype(jnp.bfloat16)
        vh = qkv[:, 2 * D + h * HD:2 * D + (h + 1) * HD].astype(jnp.bfloat16)
        sc = jax.lax.dot_general(qh, kh, (((1,), (1,)), ((), ())),
                                 preferred_element_type=jnp.float32)
        e = jnp.exp(sc - jnp.max(sc, axis=1, keepdims=True)) * allowedf
        a = e * (1.0 / jnp.sum(e, axis=1, keepdims=True))
        oh = jnp.dot(a.astype(jnp.bfloat16), vh,
                     preferred_element_type=jnp.float32)
        o_parts.append(oh.astype(jnp.bfloat16))
    o = jnp.concatenate(o_parts, axis=1)

    slot = 1.0 + jax.lax.broadcasted_iota(jnp.int32, (C, 1), 0).astype(jnp.float32)
    onehot = (slot == cid_lane).astype(jnp.float32)
    lens = jnp.sum(onehot, axis=1, keepdims=True)
    sums = jnp.dot(onehot.astype(jnp.bfloat16), o,
                   preferred_element_type=jnp.float32)
    means_o = sums * (1.0 / jnp.maximum(lens, 1.0))
    means = jax.lax.dot_general(means_o.astype(jnp.bfloat16), woutT_ref[...],
                                (((1,), (1,)), ((), ())),
                                preferred_element_type=jnp.float32) + bout_ref[0]
    occ = (lens > 0.0).astype(jnp.float32)
    means_ref[0] = means * occ


def _mlp_kernel(means_ref, bnd_ref, sv_ref, pos_ref, w1T_ref, b1_ref,
                w2T_ref, b2_ref, g_ref, beta_ref, out_ref):
    m = (bnd_ref[0] > THRESH).astype(jnp.float32)
    row = jax.lax.broadcasted_iota(jnp.int32, (S, S), 0)
    col = jax.lax.broadcasted_iota(jnp.int32, (S, S), 1)
    tri_up = (row <= col).astype(jnp.float32)
    cid_lane = jnp.dot(m, tri_up, preferred_element_type=jnp.float32)
    slot = 1.0 + jax.lax.broadcasted_iota(jnp.int32, (C, 1), 0).astype(jnp.float32)
    lens = jnp.sum((slot == cid_lane).astype(jnp.float32), axis=1,
                   keepdims=True)
    occ = (lens > 0.0).astype(jnp.float32)
    ct = means_ref[0] + occ * sv_ref[0] + pos_ref[...]
    h1 = jax.lax.dot_general(ct.astype(jnp.bfloat16), w1T_ref[...],
                             (((1,), (1,)), ((), ())),
                             preferred_element_type=jnp.float32) + b1_ref[0]
    h1 = _gelu_exact(h1)
    h2 = jax.lax.dot_general(h1.astype(jnp.bfloat16), w2T_ref[...],
                             (((1,), (1,)), ((), ())),
                             preferred_element_type=jnp.float32) + b2_ref[0]
    mu = jnp.mean(h2, axis=1, keepdims=True)
    var = jnp.mean((h2 - mu) * (h2 - mu), axis=1, keepdims=True)
    out_ref[0] = (h2 - mu) * jax.lax.rsqrt(var + 1e-5) * g_ref[0] + beta_ref[0]


def kernel(x, boundaries, W_in, b_in, W_out, b_out, size_emb, pos_enc,
           W1, b1, W2, b2, ln_g, ln_b):
    xb = x.astype(jnp.bfloat16)
    winT = W_in.astype(jnp.bfloat16)
    woutT = W_out.astype(jnp.bfloat16)
    w1T = W1.astype(jnp.bfloat16)
    w2T = W2.astype(jnp.bfloat16)
    bnd = boundaries.reshape(B, 1, S)
    pos = pos_enc.reshape(C, D)

    idx = pl.pallas_call(
        _idx_kernel,
        grid=(1,),
        in_specs=[pl.BlockSpec((B, 1, S), lambda *_: (0, 0, 0))],
        out_specs=pl.BlockSpec((B, C), lambda *_: (0, 0)),
        out_shape=jax.ShapeDtypeStruct((B, C), jnp.int32),
    )(bnd)
    sv = _sc_stage(idx.reshape(B * C), size_emb).reshape(B, C, D)

    const = lambda *_: (0, 0)
    means = pl.pallas_call(
        _attn_kernel,
        grid=(B,),
        in_specs=[
            pl.BlockSpec((1, S, D), lambda b: (b, 0, 0)),
            pl.BlockSpec((1, 1, S), lambda b: (b, 0, 0)),
            pl.BlockSpec((3 * D, D), const),
            pl.BlockSpec((1, 3 * D), const),
            pl.BlockSpec((D, D), const),
            pl.BlockSpec((1, D), const),
        ],
        out_specs=pl.BlockSpec((1, C, D), lambda b: (b, 0, 0)),
        out_shape=jax.ShapeDtypeStruct((B, C, D), jnp.float32),
    )(xb, bnd, winT, b_in.reshape(1, -1), woutT, b_out.reshape(1, -1))

    out = pl.pallas_call(
        _mlp_kernel,
        grid=(B,),
        in_specs=[
            pl.BlockSpec((1, C, D), lambda b: (b, 0, 0)),
            pl.BlockSpec((1, 1, S), lambda b: (b, 0, 0)),
            pl.BlockSpec((1, C, D), lambda b: (b, 0, 0)),
            pl.BlockSpec((C, D), const),
            pl.BlockSpec((2 * D, D), const),
            pl.BlockSpec((1, 2 * D), const),
            pl.BlockSpec((D, 2 * D), const),
            pl.BlockSpec((1, D), const),
            pl.BlockSpec((1, D), const),
            pl.BlockSpec((1, D), const),
        ],
        out_specs=pl.BlockSpec((1, C, D), lambda b: (b, 0, 0)),
        out_shape=jax.ShapeDtypeStruct((B, C, D), jnp.float32),
    )(means, bnd, sv, pos, w1T, b1.reshape(1, -1),
      w2T, b2.reshape(1, -1), ln_g.reshape(1, -1), ln_b.reshape(1, -1))
    return out

# --- scband reference (transcript-rebuilt; emitter-appended) ---
"""Pipeline reference for scband-enhanced-chunk-layer-63917703299650 (READ-ONLY COPY).

The authoritative reference and input builder live on the scoring server;
editing this copy changes nothing except your own understanding.
"""

import jax, jax.numpy as jnp
import numpy as np

B = 4
S = 512
D = 1536
H = 12  # n_heads // 2
HD = D // H
MAX_CHUNKS = 256
MAX_SEQ_LEN = 1024
THRESH = 0.9


def _mha(xc, allowed, W_in, b_in, W_out, b_out):
    # torch nn.MultiheadAttention (batch_first, single batch of 1), eval mode (no dropout)
    L = xc.shape[0]
    qkv = xc @ W_in.T + b_in
    q, k, v = jnp.split(qkv, 3, axis=-1)
    q = q.reshape(L, H, HD).transpose(1, 0, 2)
    k = k.reshape(L, H, HD).transpose(1, 0, 2)
    v = v.reshape(L, H, HD).transpose(1, 0, 2)
    scores = (q @ k.transpose(0, 2, 1)) / np.sqrt(HD)
    scores = jnp.where(allowed[None, :, :], scores, -jnp.inf)
    a = jax.nn.softmax(scores, axis=-1)
    o = (a @ v).transpose(1, 0, 2).reshape(L, D)
    return o @ W_out.T + b_out


def setup_inputs(seed: int = 0) -> dict:
    key = jax.random.key(seed)
    ks = jax.random.split(key, 12)
    s = 0.02
    return {
        "x": jax.random.normal(ks[0], (B, S, D), jnp.float32),
        "boundaries": jax.random.uniform(ks[1], (B, S), dtype=jnp.float32),
        "W_in": jax.random.normal(ks[2], (3 * D, D), jnp.float32) * s,
        "b_in": jnp.zeros((3 * D,), jnp.float32),
        "W_out": jax.random.normal(ks[3], (D, D), jnp.float32) * s,
        "b_out": jnp.zeros((D,), jnp.float32),
        "size_emb": jax.random.normal(ks[4], (MAX_SEQ_LEN, D), jnp.float32) * s,
        "pos_enc": jax.random.normal(ks[5], (1, MAX_CHUNKS, D), jnp.float32) * 0.02,
        "W1": jax.random.normal(ks[6], (2 * D, D), jnp.float32) * s,
        "b1": jnp.zeros((2 * D,), jnp.float32),
        "W2": jax.random.normal(ks[7], (D, 2 * D), jnp.float32) * s,
        "b2": jnp.zeros((D,), jnp.float32),
        "ln_g": jnp.ones((D,), jnp.float32),
        "ln_b": jnp.zeros((D,), jnp.float32),
    }


def _forward(x, boundaries, W_in, b_in, W_out, b_out, size_emb, pos_enc, W1, b1, W2, b2, ln_g, ln_b):
    slot = 1 + jnp.arange(MAX_CHUNKS, dtype=jnp.int32)
    reps = []
    for bi in range(B):
        m = boundaries[bi] > THRESH
        cid = jnp.cumsum(m.astype(jnp.int32))
        allowed = cid[:, None] == cid[None, :]
        o = _mha(x[bi], allowed, W_in, b_in, W_out, b_out)
        onehot = (cid[None, :] == slot[:, None]).astype(jnp.float32)
        lens = jnp.sum(onehot, axis=1)
        sums = onehot @ o
        means = sums / jnp.maximum(lens[:, None], 1.0)
        r = means + size_emb[jnp.minimum(lens.astype(jnp.int32), MAX_SEQ_LEN - 1)]
        r = jnp.where(lens[:, None] > 0, r, jnp.zeros((), jnp.float32))
        reps.append(r)
    ct = jnp.stack(reps, axis=0) + pos_enc
    h = ct @ W1.T + b1
    h = jax.nn.gelu(h, approximate=False)
    h = h @ W2.T + b2
    mu = jnp.mean(h, axis=-1, keepdims=True)
    var = jnp.var(h, axis=-1, keepdims=True)
    h = (h - mu) / jnp.sqrt(var + 1e-5) * ln_g + ln_b
    return h


def reference(x, boundaries, W_in, b_in, W_out, b_out, size_emb, pos_enc, W1, b1, W2, b2, ln_g, ln_b):
    return _forward(x, boundaries, W_in, b_in, W_out, b_out, size_emb, pos_enc, W1, b1, W2, b2, ln_g, ln_b)

if __name__ == "__main__":
    import jax
    _d = setup_inputs()
    print(jax.jit(kernel)(*tuple(_d.values())))

</pallas_src>

<mosaic_0001>
#map = affine_map<(d0, d1) -> (0)>
#map1 = affine_map<(d0, d1) -> (0, 0)>
module attributes {stable_mosaic.version = 14 : i64} {
  func.func @k(%arg0: i32, %arg1: i32, %arg2: memref<1024xi32, #tpu.memory_space<hbm>>, %arg3: memref<1024x1536xf32, #tpu.memory_space<hbm>>, %arg4: memref<1024x1536xf32, #tpu.memory_space<hbm>>, %arg5: memref<32xi32, #tpu.memory_space<vmem>>, %arg6: memref<32x1536xf32, #tpu.memory_space<vmem>>, %arg7: memref<!tpu.dma_semaphore, #tpu.memory_space<semaphore_mem>>) attributes {dimension_semantics = [#tpu.dimension_semantics<core_parallel>, #tpu.dimension_semantics<subcore_parallel>], iteration_bounds = array<i64: 2, 16>, scalar_prefetch = 0 : i64, scratch_operands = 3 : i64, tpu.core_type = #tpu.core_type<sc_vector_subcore>, window_params = [{transform_indices = #map}, {transform_indices = #map1}, {transform_indices = #map1}]} {
    %mul3A = arith.constant 16 : i32
    %mul3A_0 = arith.muli %arg0, %mul3A : i32
    %add3A = arith.addi %mul3A_0, %arg1 : i32
    %mul3A_1 = arith.constant 32 : i32
    %mul3A_2 = arith.muli %add3A, %mul3A_1 : i32
    "tpu.region"() ({
      %run_scoped3A = tpu.sem_alloc : memref<!tpu.dma_semaphore, #tpu.memory_space<semaphore_mem>>
      %dma_start3A_7 = tpu.memref_slice %arg2[%mul3A_2] : memref<1024xi32, #tpu.memory_space<hbm>> -> memref<32xi32, #tpu.memory_space<hbm>>
      %dma_start3A_8 = tpu.memref_slice %arg2[%mul3A_2] : memref<1024xi32, #tpu.memory_space<hbm>> -> memref<32xi32, #tpu.memory_space<hbm>>
      tpu.enqueue_dma source(%dma_start3A_8 : memref<32xi32, #tpu.memory_space<hbm>>) target(%arg5 : memref<32xi32, #tpu.memory_space<vmem>>) target_semaphore(%run_scoped3A : memref<!tpu.dma_semaphore, #tpu.memory_space<semaphore_mem>>)
      %dma_wait3A_9 = tpu.memref_slice %arg2[%mul3A_2] : memref<1024xi32, #tpu.memory_space<hbm>> -> memref<32xi32, #tpu.memory_space<hbm>>
      %dma_wait3A_10 = tpu.memref_slice %arg2[%mul3A_2] : memref<1024xi32, #tpu.memory_space<hbm>> -> memref<32xi32, #tpu.memory_space<hbm>>
      tpu.wait_dma2 semaphore(%run_scoped3A : memref<!tpu.dma_semaphore, #tpu.memory_space<semaphore_mem>>) src(%dma_wait3A_10 : memref<32xi32, #tpu.memory_space<hbm>>) dst(%arg5 : memref<32xi32, #tpu.memory_space<vmem>>)
      tpu.yield
    }) : () -> ()
    %dma_start3A = arith.constant 0 : i32
    %dma_start3A_3 = arith.constant 0 : i32
    %dma_start3A_4 = tpu.memref_slice %arg3[%dma_start3A, %dma_start3A_3] : memref<1024x1536xf32, #tpu.memory_space<hbm>> -> memref<1024x1536xf32, #tpu.memory_space<hbm>>
    tpu.enqueue_indirect_dma source(%dma_start3A_4 : memref<1024x1536xf32, #tpu.memory_space<hbm>>) target(%arg6 : memref<32x1536xf32, #tpu.memory_space<vmem>>) offsets(%arg5 : memref<32xi32, #tpu.memory_space<vmem>>) semaphore(%arg7 : memref<!tpu.dma_semaphore, #tpu.memory_space<semaphore_mem>>)
    %dma_wait3A = arith.constant 0 : i32
    %dma_wait3A_5 = arith.constant 0 : i32
    %dma_wait3A_6 = tpu.memref_slice %arg3[%dma_wait3A, %dma_wait3A_5] : memref<1024x1536xf32, #tpu.memory_space<hbm>> -> memref<1024x1536xf32, #tpu.memory_space<hbm>>
    tpu.wait_indirect_dma semaphore(%arg7 : memref<!tpu.dma_semaphore, #tpu.memory_space<semaphore_mem>>) src(%dma_wait3A_6 : memref<1024x1536xf32, #tpu.memory_space<hbm>>) dst(%arg6 : memref<32x1536xf32, #tpu.memory_space<vmem>>)
    "tpu.region"() ({
      %run_scoped3A = tpu.sem_alloc : memref<!tpu.dma_semaphore, #tpu.memory_space<semaphore_mem>>
      %dma_start3A_7 = arith.constant 0 : i32
      %dma_start3A_8 = tpu.memref_slice %arg4[%mul3A_2, %dma_start3A_7] : memref<1024x1536xf32, #tpu.memory_space<hbm>> -> memref<32x1536xf32, #tpu.memory_space<hbm>>
      %dma_start3A_9 = arith.constant 0 : i32
      %dma_start3A_10 = tpu.memref_slice %arg4[%mul3A_2, %dma_start3A_9] : memref<1024x1536xf32, #tpu.memory_space<hbm>> -> memref<32x1536xf32, #tpu.memory_space<hbm>>
      tpu.enqueue_dma source(%arg6 : memref<32x1536xf32, #tpu.memory_space<vmem>>) target(%dma_start3A_10 : memref<32x1536xf32, #tpu.memory_space<hbm>>) target_semaphore(%run_scoped3A : memref<!tpu.dma_semaphore, #tpu.memory_space<semaphore_mem>>)
      %dma_wait3A_11 = arith.constant 0 : i32
      %dma_wait3A_12 = tpu.memref_slice %arg4[%mul3A_2, %dma_wait3A_11] : memref<1024x1536xf32, #tpu.memory_space<hbm>> -> memref<32x1536xf32, #tpu.memory_space<hbm>>
      %dma_wait3A_13 = arith.constant 0 : i32
      %dma_wait3A_14 = tpu.memref_slice %arg4[%mul3A_2, %dma_wait3A_13] : memref<1024x1536xf32, #tpu.memory_space<hbm>> -> memref<32x1536xf32, #tpu.memory_space<hbm>>
      tpu.wait_dma2 semaphore(%run_scoped3A : memref<!tpu.dma_semaphore, #tpu.memory_space<semaphore_mem>>) src(%arg6 : memref<32x1536xf32, #tpu.memory_space<vmem>>) dst(%dma_wait3A_14 : memref<32x1536xf32, #tpu.memory_space<hbm>>)
      tpu.yield
    }) : () -> ()
    return
  }
}

module attributes {stable_mosaic.version = 14 : i64} {
  func.func @_idx_kernel(%arg0: i32, %arg1: memref<4x1x512xf32, #tpu.memory_space<vmem>>, %arg2: memref<4x256xi32, #tpu.memory_space<vmem>>) attributes {dimension_semantics = [#tpu.dimension_semantics<arbitrary>], iteration_bounds = array<i64: 1>, scalar_prefetch = 0 : i64, scratch_operands = 0 : i64, tpu.core_type = #tpu.core_type<tc>, window_params = [{pipeline_mode = #tpu.pipeline_mode<synchronous>, transform_indices = @transform_0, window_bounds = array<i64: 4, 1, 512>}, {pipeline_mode = #tpu.pipeline_mode<synchronous>, transform_indices = @transform_1, window_bounds = array<i64: 4, 256>}]} {
    %iota3A = tpu.iota {dimensions = array<i32: 0>} : vector<512x512xi32>
    %iota3A_0 = tpu.iota {dimensions = array<i32: 1>} : vector<512x512xi32>
    %le3A = arith.cmpi sle, %iota3A_0, %iota3A : vector<512x512xi32>
    %convert_element_type3A = arith.extui %le3A : vector<512x512xi1> to vector<512x512xi32>
    %convert_element_type3A_1 = arith.sitofp %convert_element_type3A : vector<512x512xi32> to vector<512x512xf32>
    %iota3A_2 = tpu.iota {dimensions = array<i32: 1>} : vector<1x256xi32>
    %convert_element_type3A_3 = arith.sitofp %iota3A_2 : vector<1x256xi32> to vector<1x256xf32>
    %add3A = arith.constant 1.000000e+00 : f32
    %add3A_4 = vector.broadcast %add3A : f32 to vector<1x256xf32>
    %add3A_5 = arith.addf %add3A_4, %convert_element_type3A_3 : vector<1x256xf32>
    %broadcast_in_dim3A = arith.constant 1.000000e+00 : f32
    %broadcast_in_dim3A_6 = vector.broadcast %broadcast_in_dim3A : f32 to vector<1x512xf32>
    %get3A = arith.constant 0 : index
    %get3A_7 = arith.constant 0 : index
    %get3A_8 = arith.constant 0 : index
    %get3A_9 = vector.load %arg1[%get3A, %get3A_7, %get3A_8] : memref<4x1x512xf32, #tpu.memory_space<vmem>>, vector<1x1x512xf32>
    %get3A_10 = vector.shape_cast %get3A_9 : vector<1x1x512xf32> to vector<1x512xf32>
    %gt3A = arith.constant 0.899999976 : f32
    %gt3A_11 = vector.broadcast %gt3A : f32 to vector<1x512xf32>
    %gt3A_12 = arith.cmpf ogt, %get3A_10, %gt3A_11 : vector<1x512xf32>
    %convert_element_type3A_13 = arith.extui %gt3A_12 : vector<1x512xi1> to vector<1x512xi32>
    %convert_element_type3A_14 = arith.sitofp %convert_element_type3A_13 : vector<1x512xi32> to vector<1x512xf32>
    %mul3A = vector.broadcast %convert_element_type3A_14 : vector<1x512xf32> to vector<512x512xf32>
    %mul3A_15 = arith.mulf %convert_element_type3A_1, %mul3A : vector<512x512xf32>
    %reduce_sum3A = arith.constant dense<0.000000e+00> : vector<512xf32>
    %reduce_sum3A_16 = vector.multi_reduction <add>, %mul3A_15, %reduce_sum3A [1] : vector<512x512xf32> to vector<512xf32>
    %broadcast_in_dim3A_17 = vector.shape_cast %reduce_sum3A_16 : vector<512xf32> to vector<512x1xf32>
    %eq3A = vector.broadcast %broadcast_in_dim3A_17 : vector<512x1xf32> to vector<512x256xf32>
    %eq3A_18 = vector.broadcast %add3A_5 : vector<1x256xf32> to vector<512x256xf32>
    %eq3A_19 = arith.cmpf oeq, %eq3A, %eq3A_18 : vector<512x256xf32>
    %convert_element_type3A_20 = arith.extui %eq3A_19 : vector<512x256xi1> to vector<512x256xi32>
    %convert_element_type3A_21 = arith.sitofp %convert_element_type3A_20 : vector<512x256xi32> to vector<512x256xf32>
    %dot_general3A = arith.constant dense<0.000000e+00> : vector<1x256xf32>
    %dot_general3A_22 = tpu.matmul %broadcast_in_dim3A_6, %convert_element_type3A_21, %dot_general3A {dimension_numbers = #tpu.dot_dimension_numbers<[1], [0], [0], [1], [0, 0, 1, 1], [], []>, transpose_lhs_hint = false} : vector<1x512xf32>, vector<512x256xf32>, vector<1x256xf32> -> vector<1x256xf32>
    %min3A = arith.constant 1.023000e+03 : f32
    %min3A_23 = vector.broadcast %min3A : f32 to vector<1x256xf32>
    %min3A_24 = arith.minimumf %dot_general3A_22, %min3A_23 : vector<1x256xf32>
    %convert_element_type3A_25 = arith.fptosi %min3A_24 : vector<1x256xf32> to vector<1x256xi32>
    %swap3A = arith.constant 0 : index
    %swap3A_26 = arith.constant 0 : index
    %swap3A_27 = vector.load %arg2[%swap3A, %swap3A_26] : memref<4x256xi32, #tpu.memory_space<vmem>>, vector<1x256xi32>
    tpu.vector_store %arg2[%swap3A, %swap3A_26], %convert_element_type3A_25 {strides = array<i32>} : memref<4x256xi32, #tpu.memory_space<vmem>>, vector<1x256xi32>,
    %get3A_28 = arith.constant 1 : index
    %get3A_29 = arith.constant 0 : index
    %get3A_30 = arith.constant 0 : index
    %get3A_31 = vector.load %arg1[%get3A_28, %get3A_29, %get3A_30] : memref<4x1x512xf32, #tpu.memory_space<vmem>>, vector<1x1x512xf32>
    %get3A_32 = vector.shape_cast %get3A_31 : vector<1x1x512xf32> to vector<1x512xf32>
    %gt3A_33 = arith.constant 0.899999976 : f32
    %gt3A_34 = vector.broadcast %gt3A_33 : f32 to vector<1x512xf32>
    %gt3A_35 = arith.cmpf ogt, %get3A_32, %gt3A_34 : vector<1x512xf32>
    %convert_element_type3A_36 = arith.extui %gt3A_35 : vector<1x512xi1> to vector<1x512xi32>
    %convert_element_type3A_37 = arith.sitofp %convert_element_type3A_36 : vector<1x512xi32> to vector<1x512xf32>
    %mul3A_38 = vector.broadcast %convert_element_type3A_37 : vector<1x512xf32> to vector<512x512xf32>
    %mul3A_39 = arith.mulf %convert_element_type3A_1, %mul3A_38 : vector<512x512xf32>
    %reduce_sum3A_40 = arith.constant dense<0.000000e+00> : vector<512xf32>
    %reduce_sum3A_41 = vector.multi_reduction <add>, %mul3A_39, %reduce_sum3A_40 [1] : vector<512x512xf32> to vector<512xf32>
    %broadcast_in_dim3A_42 = vector.shape_cast %reduce_sum3A_41 : vector<512xf32> to vector<512x1xf32>
    %eq3A_43 = vector.broadcast %broadcast_in_dim3A_42 : vector<512x1xf32> to vector<512x256xf32>
    %eq3A_44 = vector.broadcast %add3A_5 : vector<1x256xf32> to vector<512x256xf32>
    %eq3A_45 = arith.cmpf oeq, %eq3A_43, %eq3A_44 : vector<512x256xf32>
    %convert_element_type3A_46 = arith.extui %eq3A_45 : vector<512x256xi1> to vector<512x256xi32>
    %convert_element_type3A_47 = arith.sitofp %convert_element_type3A_46 : vector<512x256xi32> to vector<512x256xf32>
    %dot_general3A_48 = arith.constant dense<0.000000e+00> : vector<1x256xf32>
    %dot_general3A_49 = tpu.matmul %broadcast_in_dim3A_6, %convert_element_type3A_47, %dot_general3A_48 {dimension_numbers = #tpu.dot_dimension_numbers<[1], [0], [0], [1], [0, 0, 1, 1], [], []>, transpose_lhs_hint = false} : vector<1x512xf32>, vector<512x256xf32>, vector<1x256xf32> -> vector<1x256xf32>
    %min3A_50 = arith.constant 1.023000e+03 : f32
    %min3A_51 = vector.broadcast %min3A_50 : f32 to vector<1x256xf32>
    %min3A_52 = arith.minimumf %dot_general3A_49, %min3A_51 : vector<1x256xf32>
    %convert_element_type3A_53 = arith.fptosi %min3A_52 : vector<1x256xf32> to vector<1x256xi32>
    %swap3A_54 = arith.constant 1 : index
    %swap3A_55 = arith.constant 0 : index
    %swap3A_56 = vector.load %arg2[%swap3A_54, %swap3A_55] : memref<4x256xi32, #tpu.memory_space<vmem>>, vector<1x256xi32>
    tpu.vector_store %arg2[%swap3A_54, %swap3A_55], %convert_element_type3A_53 {strides = array<i32>} : memref<4x256xi32, #tpu.memory_space<vmem>>, vector<1x256xi32>,
    %get3A_57 = arith.constant 2 : index
    %get3A_58 = arith.constant 0 : index
    %get3A_59 = arith.constant 0 : index
    %get3A_60 = vector.load %arg1[%get3A_57, %get3A_58, %get3A_59] : memref<4x1x512xf32, #tpu.memory_space<vmem>>, vector<1x1x512xf32>
    %get3A_61 = vector.shape_cast %get3A_60 : vector<1x1x512xf32> to vector<1x512xf32>
    %gt3A_62 = arith.constant 0.899999976 : f32
    %gt3A_63 = vector.broadcast %gt3A_62 : f32 to vector<1x512xf32>
    %gt3A_64 = arith.cmpf ogt, %get3A_61, %gt3A_63 : vector<1x512xf32>
    %convert_element_type3A_65 = arith.extui %gt3A_64 : vector<1x512xi1> to vector<1x512xi32>
    %convert_element_type3A_66 = arith.sitofp %convert_element_type3A_65 : vector<1x512xi32> to vector<1x512xf32>
    %mul3A_67 = vector.broadcast %convert_element_type3A_66 : vector<1x512xf32> to vector<512x512xf32>
    %mul3A_68 = arith.mulf %convert_element_type3A_1, %mul3A_67 : vector<512x512xf32>
    %reduce_sum3A_69 = arith.constant dense<0.000000e+00> : vector<512xf32>
    %reduce_sum3A_70 = vector.multi_reduction <add>, %mul3A_68, %reduce_sum3A_69 [1] : vector<512x512xf32> to vector<512xf32>
    %broadcast_in_dim3A_71 = vector.shape_cast %reduce_sum3A_70 : vector<512xf32> to vector<512x1xf32>
    %eq3A_72 = vector.broadcast %broadcast_in_dim3A_71 : vector<512x1xf32> to vector<512x256xf32>
    %eq3A_73 = vector.broadcast %add3A_5 : vector<1x256xf32> to vector<512x256xf32>
    %eq3A_74 = arith.cmpf oeq, %eq3A_72, %eq3A_73 : vector<512x256xf32>
    %convert_element_type3A_75 = arith.extui %eq3A_74 : vector<512x256xi1> to vector<512x256xi32>
    %convert_element_type3A_76 = arith.sitofp %convert_element_type3A_75 : vector<512x256xi32> to vector<512x256xf32>
    %dot_general3A_77 = arith.constant dense<0.000000e+00> : vector<1x256xf32>
    %dot_general3A_78 = tpu.matmul %broadcast_in_dim3A_6, %convert_element_type3A_76, %dot_general3A_77 {dimension_numbers = #tpu.dot_dimension_numbers<[1], [0], [0], [1], [0, 0, 1, 1], [], []>, transpose_lhs_hint = false} : vector<1x512xf32>, vector<512x256xf32>, vector<1x256xf32> -> vector<1x256xf32>
    %min3A_79 = arith.constant 1.023000e+03 : f32
    %min3A_80 = vector.broadcast %min3A_79 : f32 to vector<1x256xf32>
    %min3A_81 = arith.minimumf %dot_general3A_78, %min3A_80 : vector<1x256xf32>
    %convert_element_type3A_82 = arith.fptosi %min3A_81 : vector<1x256xf32> to vector<1x256xi32>
    %swap3A_83 = arith.constant 2 : index
    %swap3A_84 = arith.constant 0 : index
    %swap3A_85 = vector.load %arg2[%swap3A_83, %swap3A_84] : memref<4x256xi32, #tpu.memory_space<vmem>>, vector<1x256xi32>
    tpu.vector_store %arg2[%swap3A_83, %swap3A_84], %convert_element_type3A_82 {strides = array<i32>} : memref<4x256xi32, #tpu.memory_space<vmem>>, vector<1x256xi32>,
    %get3A_86 = arith.constant 3 : index
    %get3A_87 = arith.constant 0 : index
    %get3A_88 = arith.constant 0 : index
    %get3A_89 = vector.load %arg1[%get3A_86, %get3A_87, %get3A_88] : memref<4x1x512xf32, #tpu.memory_space<vmem>>, vector<1x1x512xf32>
    %get3A_90 = vector.shape_cast %get3A_89 : vector<1x1x512xf32> to vector<1x512xf32>
    %gt3A_91 = arith.constant 0.899999976 : f32
    %gt3A_92 = vector.broadcast %gt3A_91 : f32 to vector<1x512xf32>
    %gt3A_93 = arith.cmpf ogt, %get3A_90, %gt3A_92 : vector<1x512xf32>
    %convert_element_type3A_94 = arith.extui %gt3A_93 : vector<1x512xi1> to vector<1x512xi32>
    %convert_element_type3A_95 = arith.sitofp %convert_element_type3A_94 : vector<1x512xi32> to vector<1x512xf32>
    %mul3A_96 = vector.broadcast %convert_element_type3A_95 : vector<1x512xf32> to vector<512x512xf32>
    %mul3A_97 = arith.mulf %convert_element_type3A_1, %mul3A_96 : vector<512x512xf32>
    %reduce_sum3A_98 = arith.constant dense<0.000000e+00> : vector<512xf32>
    %reduce_sum3A_99 = vector.multi_reduction <add>, %mul3A_97, %reduce_sum3A_98 [1] : vector<512x512xf32> to vector<512xf32>
    %broadcast_in_dim3A_100 = vector.shape_cast %reduce_sum3A_99 : vector<512xf32> to vector<512x1xf32>
    %eq3A_101 = vector.broadcast %broadcast_in_dim3A_100 : vector<512x1xf32> to vector<512x256xf32>
    %eq3A_102 = vector.broadcast %add3A_5 : vector<1x256xf32> to vector<512x256xf32>
    %eq3A_103 = arith.cmpf oeq, %eq3A_101, %eq3A_102 : vector<512x256xf32>
    %convert_element_type3A_104 = arith.extui %eq3A_103 : vector<512x256xi1> to vector<512x256xi32>
    %convert_element_type3A_105 = arith.sitofp %convert_element_type3A_104 : vector<512x256xi32> to vector<512x256xf32>
    %dot_general3A_106 = arith.constant dense<0.000000e+00> : vector<1x256xf32>
    %dot_general3A_107 = tpu.matmul %broadcast_in_dim3A_6, %convert_element_type3A_105, %dot_general3A_106 {dimension_numbers = #tpu.dot_dimension_numbers<[1], [0], [0], [1], [0, 0, 1, 1], [], []>, transpose_lhs_hint = false} : vector<1x512xf32>, vector<512x256xf32>, vector<1x256xf32> -> vector<1x256xf32>
    %min3A_108 = arith.constant 1.023000e+03 : f32
    %min3A_109 = vector.broadcast %min3A_108 : f32 to vector<1x256xf32>
    %min3A_110 = arith.minimumf %dot_general3A_107, %min3A_109 : vector<1x256xf32>
    %convert_element_type3A_111 = arith.fptosi %min3A_110 : vector<1x256xf32> to vector<1x256xi32>
    %swap3A_112 = arith.constant 3 : index
    %swap3A_113 = arith.constant 0 : index
    %swap3A_114 = vector.load %arg2[%swap3A_112, %swap3A_113] : memref<4x256xi32, #tpu.memory_space<vmem>>, vector<1x256xi32>
    tpu.vector_store %arg2[%swap3A_112, %swap3A_113], %convert_element_type3A_111 {strides = array<i32>} : memref<4x256xi32, #tpu.memory_space<vmem>>, vector<1x256xi32>,
    return
  }
  func.func @transform_0(%arg0: i32) -> (i32, i32, i32) {
    %c0_i32 = arith.constant 0 : i32
    %c0_i32_0 = arith.constant 0 : i32
    %c0_i32_1 = arith.constant 0 : i32
    %c0_i32_2 = arith.constant 0 : i32
    return %c0_i32, %c0_i32_0, %c0_i32_1 : i32, i32, i32
  }
  func.func @transform_1(%arg0: i32) -> (i32, i32) {
    %c0_i32 = arith.constant 0 : i32
    %c0_i32_0 = arith.constant 0 : i32
    %c0_i32_1 = arith.constant 0 : i32
    return %c0_i32, %c0_i32_0 : i32, i32
  }
}

module attributes {stable_mosaic.version = 14 : i64} {
  func.func @_attn_kernel(%arg0: i32, %arg1: memref<1x512x1536xbf16, #tpu.memory_space<vmem>>, %arg2: memref<1x1x512xf32, #tpu.memory_space<vmem>>, %arg3: memref<4608x1536xbf16, #tpu.memory_space<vmem>>, %arg4: memref<1x4608xf32, #tpu.memory_space<vmem>>, %arg5: memref<1536x1536xbf16, #tpu.memory_space<vmem>>, %arg6: memref<1x1536xf32, #tpu.memory_space<vmem>>, %arg7: memref<1x256x1536xf32, #tpu.memory_space<vmem>>) attributes {dimension_semantics = [#tpu.dimension_semantics<arbitrary>], iteration_bounds = array<i64: 4>, scalar_prefetch = 0 : i64, scratch_operands = 0 : i64, tpu.core_type = #tpu.core_type<tc>, window_params = [{transform_indices = @transform_0, window_bounds = array<i64: 1, 512, 1536>}, {transform_indices = @transform_1, window_bounds = array<i64: 1, 1, 512>}, {pipeline_mode = #tpu.pipeline_mode<synchronous>, transform_indices = @transform_2, window_bounds = array<i64: 4608, 1536>}, {pipeline_mode = #tpu.pipeline_mode<synchronous>, transform_indices = @transform_3, window_bounds = array<i64: 1, 4608>}, {pipeline_mode = #tpu.pipeline_mode<synchronous>, transform_indices = @transform_4, window_bounds = array<i64: 1536, 1536>}, {pipeline_mode = #tpu.pipeline_mode<synchronous>, transform_indices = @transform_5, window_bounds = array<i64: 1, 1536>}, {transform_indices = @transform_6, window_bounds = array<i64: 1, 256, 1536>}]} {
    %get3A = arith.constant 0 : index
    %get3A_0 = arith.constant 0 : index
    %get3A_1 = arith.constant 0 : index
    %get3A_2 = vector.load %arg1[%get3A, %get3A_0, %get3A_1] : memref<1x512x1536xbf16, #tpu.memory_space<vmem>>, vector<1x512x1536xbf16>
    %get3A_3 = vector.shape_cast %get3A_2 : vector<1x512x1536xbf16> to vector<512x1536xbf16>
    %get3A_4 = arith.constant 0 : index
    %get3A_5 = arith.constant 0 : index
    %get3A_6 = arith.constant 0 : index
    %get3A_7 = vector.load %arg2[%get3A_4, %get3A_5, %get3A_6] : memref<1x1x512xf32, #tpu.memory_space<vmem>>, vector<1x1x512xf32>
    %get3A_8 = vector.shape_cast %get3A_7 : vector<1x1x512xf32> to vector<1x512xf32>
    %gt3A = arith.constant 0.899999976 : f32
    %gt3A_9 = vector.broadcast %gt3A : f32 to vector<1x512xf32>
    %gt3A_10 = arith.cmpf ogt, %get3A_8, %gt3A_9 : vector<1x512xf32>
    %convert_element_type3A = arith.extui %gt3A_10 : vector<1x512xi1> to vector<1x512xi32>
    %convert_element_type3A_11 = arith.sitofp %convert_element_type3A : vector<1x512xi32> to vector<1x512xf32>
    %iota3A = tpu.iota {dimensions = array<i32: 0>} : vector<512x512xi32>
    %iota3A_12 = tpu.iota {dimensions = array<i32: 1>} : vector<512x512xi32>
    %le3A = arith.cmpi sle, %iota3A_12, %iota3A : vector<512x512xi32>
    %convert_element_type3A_13 = arith.extui %le3A : vector<512x512xi1> to vector<512x512xi32>
    %convert_element_type3A_14 = arith.sitofp %convert_element_type3A_13 : vector<512x512xi32> to vector<512x512xf32>
    %mul3A = vector.broadcast %convert_element_type3A_11 : vector<1x512xf32> to vector<512x512xf32>
    %mul3A_15 = arith.mulf %convert_element_type3A_14, %mul3A : vector<512x512xf32>
    %reduce_sum3A = arith.constant dense<0.000000e+00> : vector<512xf32>
    %reduce_sum3A_16 = vector.multi_reduction <add>, %mul3A_15, %reduce_sum3A [1] : vector<512x512xf32> to vector<512xf32>
    %broadcast_in_dim3A = vector.shape_cast %reduce_sum3A_16 : vector<512xf32> to vector<512x1xf32>
    %le3A_17 = arith.cmpi sle, %iota3A, %iota3A_12 : vector<512x512xi32>
    %convert_element_type3A_18 = arith.extui %le3A_17 : vector<512x512xi1> to vector<512x512xi32>
    %convert_element_type3A_19 = arith.sitofp %convert_element_type3A_18 : vector<512x512xi32> to vector<512x512xf32>
    %dot_general3A = arith.constant dense<0.000000e+00> : vector<1x512xf32>
    %dot_general3A_20 = tpu.matmul %convert_element_type3A_11, %convert_element_type3A_19, %dot_general3A {dimension_numbers = #tpu.dot_dimension_numbers<[1], [0], [0], [1], [0, 0, 1, 1], [], []>, transpose_lhs_hint = false} : vector<1x512xf32>, vector<512x512xf32>, vector<1x512xf32> -> vector<1x512xf32>
    %eq3A = vector.broadcast %broadcast_in_dim3A : vector<512x1xf32> to vector<512x512xf32>
    %eq3A_21 = vector.broadcast %dot_general3A_20 : vector<1x512xf32> to vector<512x512xf32>
    %eq3A_22 = arith.cmpf oeq, %eq3A, %eq3A_21 : vector<512x512xf32>
    %convert_element_type3A_23 = arith.extui %eq3A_22 : vector<512x512xi1> to vector<512x512xi32>
    %convert_element_type3A_24 = arith.sitofp %convert_element_type3A_23 : vector<512x512xi32> to vector<512x512xf32>
    %get3A_25 = arith.constant 0 : index
    %get3A_26 = arith.constant 0 : index
    %get3A_27 = vector.load %arg3[%get3A_25, %get3A_26] : memref<4608x1536xbf16, #tpu.memory_space<vmem>>, vector<4608x1536xbf16>
    %dot_general3A_28 = arith.constant dense<0.000000e+00> : vector<512x4608xf32>
    %dot_general3A_29 = tpu.matmul %get3A_3, %get3A_27, %dot_general3A_28 {dimension_numbers = #tpu.dot_dimension_numbers<[1], [1], [0], [0], [0, 0, 1, 0], [], []>, transpose_lhs_hint = false} : vector<512x1536xbf16>, vector<4608x1536xbf16>, vector<512x4608xf32> -> vector<512x4608xf32>
    %get3A_30 = arith.constant 0 : index
    %get3A_31 = arith.constant 0 : index
    %get3A_32 = vector.load %arg4[%get3A_30, %get3A_31] : memref<1x4608xf32, #tpu.memory_space<vmem>>, vector<1x4608xf32>
    %get3A_33 = vector.shape_cast %get3A_32 : vector<1x4608xf32> to vector<4608xf32>
    %broadcast_in_dim3A_34 = vector.shape_cast %get3A_33 : vector<4608xf32> to vector<1x4608xf32>
    %add3A = vector.broadcast %broadcast_in_dim3A_34 : vector<1x4608xf32> to vector<512x4608xf32>
    %add3A_35 = arith.addf %dot_general3A_29, %add3A : vector<512x4608xf32>
    %slice3A = vector.extract_strided_slice %add3A_35 {offsets = [0, 0], sizes = [512, 1536], strides = [1, 1]} : vector<512x4608xf32> to vector<512x1536xf32>
    %mul3A_36 = arith.constant 0.0883883461 : f32
    %mul3A_37 = vector.broadcast %mul3A_36 : f32 to vector<512x1536xf32>
    %mul3A_38 = arith.mulf %slice3A, %mul3A_37 : vector<512x1536xf32>
    %slice3A_39 = vector.extract_strided_slice %mul3A_38 {offsets = [0, 0], sizes = [512, 128], strides = [1, 1]} : vector<512x1536xf32> to vector<512x128xf32>
    %convert_element_type3A_40 = arith.truncf %slice3A_39 : vector<512x128xf32> to vector<512x128xbf16>
    %slice3A_41 = vector.extract_strided_slice %add3A_35 {offsets = [0, 1536], sizes = [512, 128], strides = [1, 1]} : vector<512x4608xf32> to vector<512x128xf32>
    %convert_element_type3A_42 = arith.truncf %slice3A_41 : vector<512x128xf32> to vector<512x128xbf16>
    %slice3A_43 = vector.extract_strided_slice %add3A_35 {offsets = [0, 3072], sizes = [512, 128], strides = [1, 1]} : vector<512x4608xf32> to vector<512x128xf32>
    %convert_element_type3A_44 = arith.truncf %slice3A_43 : vector<512x128xf32> to vector<512x128xbf16>
    %dot_general3A_45 = arith.constant dense<0.000000e+00> : vector<512x512xf32>
    %dot_general3A_46 = tpu.matmul %convert_element_type3A_40, %convert_element_type3A_42, %dot_general3A_45 {dimension_numbers = #tpu.dot_dimension_numbers<[1], [1], [0], [0], [0, 0, 1, 0], [], []>, transpose_lhs_hint = false} : vector<512x128xbf16>, vector<512x128xbf16>, vector<512x512xf32> -> vector<512x512xf32>
    %reduce_max3A = arith.constant dense<0xFF800000> : vector<512xf32>
    %reduce_max3A_47 = vector.multi_reduction <maximumf>, %dot_general3A_46, %reduce_max3A [1] : vector<512x512xf32> to vector<512xf32>
    %broadcast_in_dim3A_48 = vector.shape_cast %reduce_max3A_47 : vector<512xf32> to vector<512x1xf32>
    %sub3A = vector.broadcast %broadcast_in_dim3A_48 : vector<512x1xf32> to vector<512x512xf32>
    %sub3A_49 = arith.subf %dot_general3A_46, %sub3A : vector<512x512xf32>
    %exp3A = math.exp %sub3A_49 : vector<512x512xf32>
    %mul3A_50 = arith.mulf %exp3A, %convert_element_type3A_24 : vector<512x512xf32>
    %reduce_sum3A_51 = arith.constant dense<0.000000e+00> : vector<512xf32>
    %reduce_sum3A_52 = vector.multi_reduction <add>, %mul3A_50, %reduce_sum3A_51 [1] : vector<512x512xf32> to vector<512xf32>
    %broadcast_in_dim3A_53 = vector.shape_cast %reduce_sum3A_52 : vector<512xf32> to vector<512x1xf32>
    %div3A = arith.constant 1.000000e+00 : f32
    %div3A_54 = vector.broadcast %div3A : f32 to vector<512x1xf32>
    %div3A_55 = arith.divf %div3A_54, %broadcast_in_dim3A_53 : vector<512x1xf32>
    %mul3A_56 = vector.broadcast %div3A_55 : vector<512x1xf32> to vector<512x512xf32>
    %mul3A_57 = arith.mulf %mul3A_50, %mul3A_56 : vector<512x512xf32>
    %convert_element_type3A_58 = arith.truncf %mul3A_57 : vector<512x512xf32> to vector<512x512xbf16>
    %dot_general3A_59 = arith.constant dense<0.000000e+00> : vector<512x128xf32>
    %dot_general3A_60 = tpu.matmul %convert_element_type3A_58, %convert_element_type3A_44, %dot_general3A_59 {dimension_numbers = #tpu.dot_dimension_numbers<[1], [0], [0], [1], [0, 0, 1, 1], [], []>, transpose_lhs_hint = false} : vector<512x512xbf16>, vector<512x128xbf16>, vector<512x128xf32> -> vector<512x128xf32>
    %convert_element_type3A_61 = arith.truncf %dot_general3A_60 : vector<512x128xf32> to vector<512x128xbf16>
    %slice3A_62 = vector.extract_strided_slice %mul3A_38 {offsets = [0, 128], sizes = [512, 128], strides = [1, 1]} : vector<512x1536xf32> to vector<512x128xf32>
    %convert_element_type3A_63 = arith.truncf %slice3A_62 : vector<512x128xf32> to vector<512x128xbf16>
    %slice3A_64 = vector.extract_strided_slice %add3A_35 {offsets = [0, 1664], sizes = [512, 128], strides = [1, 1]} : vector<512x4608xf32> to vector<512x128xf32>
    %convert_element_type3A_65 = arith.truncf %slice3A_64 : vector<512x128xf32> to vector<512x128xbf16>
    %slice3A_66 = vector.extract_strided_slice %add3A_35 {offsets = [0, 3200], sizes = [512, 128], strides = [1, 1]} : vector<512x4608xf32> to vector<512x128xf32>
    %convert_element_type3A_67 = arith.truncf %slice3A_66 : vector<512x128xf32> to vector<512x128xbf16>
    %dot_general3A_68 = arith.constant dense<0.000000e+00> : vector<512x512xf32>
    %dot_general3A_69 = tpu.matmul %convert_element_type3A_63, %convert_element_type3A_65, %dot_general3A_68 {dimension_numbers = #tpu.dot_dimension_numbers<[1], [1], [0], [0], [0, 0, 1, 0], [], []>, transpose_lhs_hint = false} : vector<512x128xbf16>, vector<512x128xbf16>, vector<512x512xf32> -> vector<512x512xf32>
    %reduce_max3A_70 = arith.constant dense<0xFF800000> : vector<512xf32>
    %reduce_max3A_71 = vector.multi_reduction <maximumf>, %dot_general3A_69, %reduce_max3A_70 [1] : vector<512x512xf32> to vector<512xf32>
    %broadcast_in_dim3A_72 = vector.shape_cast %reduce_max3A_71 : vector<512xf32> to vector<512x1xf32>
    %sub3A_73 = vector.broadcast %broadcast_in_dim3A_72 : vector<512x1xf32> to vector<512x512xf32>
    %sub3A_74 = arith.subf %dot_general3A_69, %sub3A_73 : vector<512x512xf32>
    %exp3A_75 = math.exp %sub3A_74 : vector<512x512xf32>
    %mul3A_76 = arith.mulf %exp3A_75, %convert_element_type3A_24 : vector<512x512xf32>
    %reduce_sum3A_77 = arith.constant dense<0.000000e+00> : vector<512xf32>
    %reduce_sum3A_78 = vector.multi_reduction <add>, %mul3A_76, %reduce_sum3A_77 [1] : vector<512x512xf32> to vector<512xf32>
    %broadcast_in_dim3A_79 = vector.shape_cast %reduce_sum3A_78 : vector<512xf32> to vector<512x1xf32>
    %div3A_80 = arith.constant 1.000000e+00 : f32
    %div3A_81 = vector.broadcast %div3A_80 : f32 to vector<512x1xf32>
    %div3A_82 = arith.divf %div3A_81, %broadcast_in_dim3A_79 : vector<512x1xf32>
    %mul3A_83 = vector.broadcast %div3A_82 : vector<512x1xf32> to vector<512x512xf32>
    %mul3A_84 = arith.mulf %mul3A_76, %mul3A_83 : vector<512x512xf32>
    %convert_element_type3A_85 = arith.truncf %mul3A_84 : vector<512x512xf32> to vector<512x512xbf16>
    %dot_general3A_86 = arith.constant dense<0.000000e+00> : vector<512x128xf32>
    %dot_general3A_87 = tpu.matmul %convert_element_type3A_85, %convert_element_type3A_67, %dot_general3A_86 {dimension_numbers = #tpu.dot_dimension_numbers<[1], [0], [0], [1], [0, 0, 1, 1], [], []>, transpose_lhs_hint = false} : vector<512x512xbf16>, vector<512x128xbf16>, vector<512x128xf32> -> vector<512x128xf32>
    %convert_element_type3A_88 = arith.truncf %dot_general3A_87 : vector<512x128xf32> to vector<512x128xbf16>
    %slice3A_89 = vector.extract_strided_slice %mul3A_38 {offsets = [0, 256], sizes = [512, 128], strides = [1, 1]} : vector<512x1536xf32> to vector<512x128xf32>
    %convert_element_type3A_90 = arith.truncf %slice3A_89 : vector<512x128xf32> to vector<512x128xbf16>
    %slice3A_91 = vector.extract_strided_slice %add3A_35 {offsets = [0, 1792], sizes = [512, 128], strides = [1, 1]} : vector<512x4608xf32> to vector<512x128xf32>
    %convert_element_type3A_92 = arith.truncf %slice3A_91 : vector<512x128xf32> to vector<512x128xbf16>
    %slice3A_93 = vector.extract_strided_slice %add3A_35 {offsets = [0, 3328], sizes = [512, 128], strides = [1, 1]} : vector<512x4608xf32> to vector<512x128xf32>
    %convert_element_type3A_94 = arith.truncf %slice3A_93 : vector<512x128xf32> to vector<512x128xbf16>
    %dot_general3A_95 = arith.constant dense<0.000000e+00> : vector<512x512xf32>
    %dot_general3A_96 = tpu.matmul %convert_element_type3A_90, %convert_element_type3A_92, %dot_general3A_95 {dimension_numbers = #tpu.dot_dimension_numbers<[1], [1], [0], [0], [0, 0, 1, 0], [], []>, transpose_lhs_hint = false} : vector<512x128xbf16>, vector<512x128xbf16>, vector<512x512xf32> -> vector<512x512xf32>
    %reduce_max3A_97 = arith.constant dense<0xFF800000> : vector<512xf32>
    %reduce_max3A_98 = vector.multi_reduction <maximumf>, %dot_general3A_96, %reduce_max3A_97 [1] : vector<512x512xf32> to vector<512xf32>
    %broadcast_in_dim3A_99 = vector.shape_cast %reduce_max3A_98 : vector<512xf32> to vector<512x1xf32>
    %sub3A_100 = vector.broadcast %broadcast_in_dim3A_99 : vector<512x1xf32> to vector<512x512xf32>
    %sub3A_101 = arith.subf %dot_general3A_96, %sub3A_100 : vector<512x512xf32>
    %exp3A_102 = math.exp %sub3A_101 : vector<512x512xf32>
    %mul3A_103 = arith.mulf %exp3A_102, %convert_element_type3A_24 : vector<512x512xf32>
    %reduce_sum3A_104 = arith.constant dense<0.000000e+00> : vector<512xf32>
    %reduce_sum3A_105 = vector.multi_reduction <add>, %mul3A_103, %reduce_sum3A_104 [1] : vector<512x512xf32> to vector<512xf32>
    %broadcast_in_dim3A_106 = vector.shape_cast %reduce_sum3A_105 : vector<512xf32> to vector<512x1xf32>
    %div3A_107 = arith.constant 1.000000e+00 : f32
    %div3A_108 = vector.broadcast %div3A_107 : f32 to vector<512x1xf32>
    %div3A_109 = arith.divf %div3A_108, %broadcast_in_dim3A_106 : vector<512x1xf32>
    %mul3A_110 = vector.broadcast %div3A_109 : vector<512x1xf32> to vector<512x512xf32>
    %mul3A_111 = arith.mulf %mul3A_103, %mul3A_110 : vector<512x512xf32>
    %convert_element_type3A_112 = arith.truncf %mul3A_111 : vector<512x512xf32> to vector<512x512xbf16>
    %dot_general3A_113 = arith.constant dense<0.000000e+00> : vector<512x128xf32>
    %dot_general3A_114 = tpu.matmul %convert_element_type3A_112, %convert_element_type3A_94, %dot_general3A_113 {dimension_numbers = #tpu.dot_dimension_numbers<[1], [0], [0], [1], [0, 0, 1, 1], [], []>, transpose_lhs_hint = false} : vector<512x512xbf16>, vector<512x128xbf16>, vector<512x128xf32> -> vector<512x128xf32>
    %convert_element_type3A_115 = arith.truncf %dot_general3A_114 : vector<512x128xf32> to vector<512x128xbf16>
    %slice3A_116 = vector.extract_strided_slice %mul3A_38 {offsets = [0, 384], sizes = [512, 128], strides = [1, 1]} : vector<512x1536xf32> to vector<512x128xf32>
    %convert_element_type3A_117 = arith.truncf %slice3A_116 : vector<512x128xf32> to vector<512x128xbf16>
    %slice3A_118 = vector.extract_strided_slice %add3A_35 {offsets = [0, 1920], sizes = [512, 128], strides = [1, 1]} : vector<512x4608xf32> to vector<512x128xf32>
    %convert_element_type3A_119 = arith.truncf %slice3A_118 : vector<512x128xf32> to vector<512x128xbf16>
    %slice3A_120 = vector.extract_strided_slice %add3A_35 {offsets = [0, 3456], sizes = [512, 128], strides = [1, 1]} : vector<512x4608xf32> to vector<512x128xf32>
    %convert_element_type3A_121 = arith.truncf %slice3A_120 : vector<512x128xf32> to vector<512x128xbf16>
    %dot_general3A_122 = arith.constant dense<0.000000e+00> : vector<512x512xf32>
    %dot_general3A_123 = tpu.matmul %convert_element_type3A_117, %convert_element_type3A_119, %dot_general3A_122 {dimension_numbers = #tpu.dot_dimension_numbers<[1], [1], [0], [0], [0, 0, 1, 0], [], []>, transpose_lhs_hint = false} : vector<512x128xbf16>, vector<512x128xbf16>, vector<512x512xf32> -> vector<512x512xf32>
    %reduce_max3A_124 = arith.constant dense<0xFF800000> : vector<512xf32>
    %reduce_max3A_125 = vector.multi_reduction <maximumf>, %dot_general3A_123, %reduce_max3A_124 [1] : vector<512x512xf32> to vector<512xf32>
    %broadcast_in_dim3A_126 = vector.shape_cast %reduce_max3A_125 : vector<512xf32> to vector<512x1xf32>
    %sub3A_127 = vector.broadcast %broadcast_in_dim3A_126 : vector<512x1xf32> to vector<512x512xf32>
    %sub3A_128 = arith.subf %dot_general3A_123, %sub3A_127 : vector<512x512xf32>
    %exp3A_129 = math.exp %sub3A_128 : vector<512x512xf32>
    %mul3A_130 = arith.mulf %exp3A_129, %convert_element_type3A_24 : vector<512x512xf32>
    %reduce_sum3A_131 = arith.constant dense<0.000000e+00> : vector<512xf32>
    %reduce_sum3A_132 = vector.multi_reduction <add>, %mul3A_130, %reduce_sum3A_131 [1] : vector<512x512xf32> to vector<512xf32>
    %broadcast_in_dim3A_133 = vector.shape_cast %reduce_sum3A_132 : vector<512xf32> to vector<512x1xf32>
    %div3A_134 = arith.constant 1.000000e+00 : f32
    %div3A_135 = vector.broadcast %div3A_134 : f32 to vector<512x1xf32>
    %div3A_136 = arith.divf %div3A_135, %broadcast_in_dim3A_133 : vector<512x1xf32>
    %mul3A_137 = vector.broadcast %div3A_136 : vector<512x1xf32> to vector<512x512xf32>
    %mul3A_138 = arith.mulf %mul3A_130, %mul3A_137 : vector<512x512xf32>
    %convert_element_type3A_139 = arith.truncf %mul3A_138 : vector<512x512xf32> to vector<512x512xbf16>
    %dot_general3A_140 = arith.constant dense<0.000000e+00> : vector<512x128xf32>
    %dot_general3A_141 = tpu.matmul %convert_element_type3A_139, %convert_element_type3A_121, %dot_general3A_140 {dimension_numbers = #tpu.dot_dimension_numbers<[1], [0], [0], [1], [0, 0, 1, 1], [], []>, transpose_lhs_hint = false} : vector<512x512xbf16>, vector<512x128xbf16>, vector<512x128xf32> -> vector<512x128xf32>
    %convert_element_type3A_142 = arith.truncf %dot_general3A_141 : vector<512x128xf32> to vector<512x128xbf16>
    %slice3A_143 = vector.extract_strided_slice %mul3A_38 {offsets = [0, 512], sizes = [512, 128], strides = [1, 1]} : vector<512x1536xf32> to vector<512x128xf32>
    %convert_element_type3A_144 = arith.truncf %slice3A_143 : vector<512x128xf32> to vector<512x128xbf16>
    %slice3A_145 = vector.extract_strided_slice %add3A_35 {offsets = [0, 2048], sizes = [512, 128], strides = [1, 1]} : vector<512x4608xf32> to vector<512x128xf32>
    %convert_element_type3A_146 = arith.truncf %slice3A_145 : vector<512x128xf32> to vector<512x128xbf16>
    %slice3A_147 = vector.extract_strided_slice %add3A_35 {offsets = [0, 3584], sizes = [512, 128], strides = [1, 1]} : vector<512x4608xf32> to vector<512x128xf32>
    %convert_element_type3A_148 = arith.truncf %slice3A_147 : vector<512x128xf32> to vector<512x128xbf16>
    %dot_general3A_149 = arith.constant dense<0.000000e+00> : vector<512x512xf32>
    %dot_general3A_150 = tpu.matmul %convert_element_type3A_144, %convert_element_type3A_146, %dot_general3A_149 {dimension_numbers = #tpu.dot_dimension_numbers<[1], [1], [0], [0], [0, 0, 1, 0], [], []>, transpose_lhs_hint = false} : vector<512x128xbf16>, vector<512x128xbf16>, vector<512x512xf32> -> vector<512x512xf32>
    %reduce_max3A_151 = arith.constant dense<0xFF800000> : vector<512xf32>
    %reduce_max3A_152 = vector.multi_reduction <maximumf>, %dot_general3A_150, %reduce_max3A_151 [1] : vector<512x512xf32> to vector<512xf32>
    %broadcast_in_dim3A_153 = vector.shape_cast %reduce_max3A_152 : vector<512xf32> to vector<512x1xf32>
    %sub3A_154 = vector.broadcast %broadcast_in_dim3A_153 : vector<512x1xf32> to vector<512x512xf32>
    %sub3A_155 = arith.subf %dot_general3A_150, %sub3A_154 : vector<512x512xf32>
    %exp3A_156 = math.exp %sub3A_155 : vector<512x512xf32>
    %mul3A_157 = arith.mulf %exp3A_156, %convert_element_type3A_24 : vector<512x512xf32>
    %reduce_sum3A_158 = arith.constant dense<0.000000e+00> : vector<512xf32>
    %reduce_sum3A_159 = vector.multi_reduction <add>, %mul3A_157, %reduce_sum3A_158 [1] : vector<512x512xf32> to vector<512xf32>
    %broadcast_in_dim3A_160 = vector.shape_cast %reduce_sum3A_159 : vector<512xf32> to vector<512x1xf32>
    %div3A_161 = arith.constant 1.000000e+00 : f32
    %div3A_162 = vector.broadcast %div3A_161 : f32 to vector<512x1xf32>
    %div3A_163 = arith.divf %div3A_162, %broadcast_in_dim3A_160 : vector<512x1xf32>
    %mul3A_164 = vector.broadcast %div3A_163 : vector<512x1xf32> to vector<512x512xf32>
    %mul3A_165 = arith.mulf %mul3A_157, %mul3A_164 : vector<512x512xf32>
    %convert_element_type3A_166 = arith.truncf %mul3A_165 : vector<512x512xf32> to vector<512x512xbf16>
    %dot_general3A_167 = arith.constant dense<0.000000e+00> : vector<512x128xf32>
    %dot_general3A_168 = tpu.matmul %convert_element_type3A_166, %convert_element_type3A_148, %dot_general3A_167 {dimension_numbers = #tpu.dot_dimension_numbers<[1], [0], [0], [1], [0, 0, 1, 1], [], []>, transpose_lhs_hint = false} : vector<512x512xbf16>, vector<512x128xbf16>, vector<512x128xf32> -> vector<512x128xf32>
    %convert_element_type3A_169 = arith.truncf %dot_general3A_168 : vector<512x128xf32> to vector<512x128xbf16>
    %slice3A_170 = vector.extract_strided_slice %mul3A_38 {offsets = [0, 640], sizes = [512, 128], strides = [1, 1]} : vector<512x1536xf32> to vector<512x128xf32>
    %convert_element_type3A_171 = arith.truncf %slice3A_170 : vector<512x128xf32> to vector<512x128xbf16>
    %slice3A_172 = vector.extract_strided_slice %add3A_35 {offsets = [0, 2176], sizes = [512, 128], strides = [1, 1]} : vector<512x4608xf32> to vector<512x128xf32>
    %convert_element_type3A_173 = arith.truncf %slice3A_172 : vector<512x128xf32> to vector<512x128xbf16>
    %slice3A_174 = vector.extract_strided_slice %add3A_35 {offsets = [0, 3712], sizes = [512, 128], strides = [1, 1]} : vector<512x4608xf32> to vector<512x128xf32>
    %convert_element_type3A_175 = arith.truncf %slice3A_174 : vector<512x128xf32> to vector<512x128xbf16>
    %dot_general3A_176 = arith.constant dense<0.000000e+00> : vector<512x512xf32>
    %dot_general3A_177 = tpu.matmul %convert_element_type3A_171, %convert_element_type3A_173, %dot_general3A_176 {dimension_numbers = #tpu.dot_dimension_numbers<[1], [1], [0], [0], [0, 0, 1, 0], [], []>, transpose_lhs_hint = false} : vector<512x128xbf16>, vector<512x128xbf16>, vector<512x512xf32> -> vector<512x512xf32>
    %reduce_max3A_178 = arith.constant dense<0xFF800000> : vector<512xf32>
    %reduce_max3A_179 = vector.multi_reduction <maximumf>, %dot_general3A_177, %reduce_max3A_178 [1] : vector<512x512xf32> to vector<512xf32>
    %broadcast_in_dim3A_180 = vector.shape_cast %reduce_max3A_179 : vector<512xf32> to vector<512x1xf32>
    %sub3A_181 = vector.broadcast %broadcast_in_dim3A_180 : vector<512x1xf32> to vector<512x512xf32>
    %sub3A_182 = arith.subf %dot_general3A_177, %sub3A_181 : vector<512x512xf32>
    %exp3A_183 = math.exp %sub3A_182 : vector<512x512xf32>
    %mul3A_184 = arith.mulf %exp3A_183, %convert_element_type3A_24 : vector<512x512xf32>
    %reduce_sum3A_185 = arith.constant dense<0.000000e+00> : vector<512xf32>
    %reduce_sum3A_186 = vector.multi_reduction <add>, %mul3A_184, %reduce_sum3A_185 [1] : vector<512x512xf32> to vector<512xf32>
    %broadcast_in_dim3A_187 = vector.shape_cast %reduce_sum3A_186 : vector<512xf32> to vector<512x1xf32>
    %div3A_188 = arith.constant 1.000000e+00 : f32
    %div3A_189 = vector.broadcast %div3A_188 : f32 to vector<512x1xf32>
    %div3A_190 = arith.divf %div3A_189, %broadcast_in_dim3A_187 : vector<512x1xf32>
    %mul3A_191 = vector.broadcast %div3A_190 : vector<512x1xf32> to vector<512x512xf32>
    %mul3A_192 = arith.mulf %mul3A_184, %mul3A_191 : vector<512x512xf32>
    %convert_element_type3A_193 = arith.truncf %mul3A_192 : vector<512x512xf32> to vector<512x512xbf16>
    %dot_general3A_194 = arith.constant dense<0.000000e+00> : vector<512x128xf32>
    %dot_general3A_195 = tpu.matmul %convert_element_type3A_193, %convert_element_type3A_175, %dot_general3A_194 {dimension_numbers = #tpu.dot_dimension_numbers<[1], [0], [0], [1], [0, 0, 1, 1], [], []>, transpose_lhs_hint = false} : vector<512x512xbf16>, vector<512x128xbf16>, vector<512x128xf32> -> vector<512x128xf32>
    %convert_element_type3A_196 = arith.truncf %dot_general3A_195 : vector<512x128xf32> to vector<512x128xbf16>
    %slice3A_197 = vector.extract_strided_slice %mul3A_38 {offsets = [0, 768], sizes = [512, 128], strides = [1, 1]} : vector<512x1536xf32> to vector<512x128xf32>
    %convert_element_type3A_198 = arith.truncf %slice3A_197 : vector<512x128xf32> to vector<512x128xbf16>
    %slice3A_199 = vector.extract_strided_slice %add3A_35 {offsets = [0, 2304], sizes = [512, 128], strides = [1, 1]} : vector<512x4608xf32> to vector<512x128xf32>
    %convert_element_type3A_200 = arith.truncf %slice3A_199 : vector<512x128xf32> to vector<512x128xbf16>
    %slice3A_201 = vector.extract_strided_slice %add3A_35 {offsets = [0, 3840], sizes = [512, 128], strides = [1, 1]} : vector<512x4608xf32> to vector<512x128xf32>
    %convert_element_type3A_202 = arith.truncf %slice3A_201 : vector<512x128xf32> to vector<512x128xbf16>
    %dot_general3A_203 = arith.constant dense<0.000000e+00> : vector<512x512xf32>
    %dot_general3A_204 = tpu.matmul %convert_element_type3A_198, %convert_element_type3A_200, %dot_general3A_203 {dimension_numbers = #tpu.dot_dimension_numbers<[1], [1], [0], [0], [0, 0, 1, 0], [], []>, transpose_lhs_hint = false} : vector<512x128xbf16>, vector<512x128xbf16>, vector<512x512xf32> -> vector<512x512xf32>
    %reduce_max3A_205 = arith.constant dense<0xFF800000> : vector<512xf32>
    %reduce_max3A_206 = vector.multi_reduction <maximumf>, %dot_general3A_204, %reduce_max3A_205 [1] : vector<512x512xf32> to vector<512xf32>
    %broadcast_in_dim3A_207 = vector.shape_cast %reduce_max3A_206 : vector<512xf32> to vector<512x1xf32>
    %sub3A_208 = vector.broadcast %broadcast_in_dim3A_207 : vector<512x1xf32> to vector<512x512xf32>
    %sub3A_209 = arith.subf %dot_general3A_204, %sub3A_208 : vector<512x512xf32>
    %exp3A_210 = math.exp %sub3A_209 : vector<512x512xf32>
    %mul3A_211 = arith.mulf %exp3A_210, %convert_element_type3A_24 : vector<512x512xf32>
    %reduce_sum3A_212 = arith.constant dense<0.000000e+00> : vector<512xf32>
    %reduce_sum3A_213 = vector.multi_reduction <add>, %mul3A_211, %reduce_sum3A_212 [1] : vector<512x512xf32> to vector<512xf32>
    %broadcast_in_dim3A_214 = vector.shape_cast %reduce_sum3A_213 : vector<512xf32> to vector<512x1xf32>
    %div3A_215 = arith.constant 1.000000e+00 : f32
    %div3A_216 = vector.broadcast %div3A_215 : f32 to vector<512x1xf32>
    %div3A_217 = arith.divf %div3A_216, %broadcast_in_dim3A_214 : vector<512x1xf32>
    %mul3A_218 = vector.broadcast %div3A_217 : vector<512x1xf32> to vector<512x512xf32>
    %mul3A_219 = arith.mulf %mul3A_211, %mul3A_218 : vector<512x512xf32>
    %convert_element_type3A_220 = arith.truncf %mul3A_219 : vector<512x512xf32> to vector<512x512xbf16>
    %dot_general3A_221 = arith.constant dense<0.000000e+00> : vector<512x128xf32>
    %dot_general3A_222 = tpu.matmul %convert_element_type3A_220, %convert_element_type3A_202, %dot_general3A_221 {dimension_numbers = #tpu.dot_dimension_numbers<[1], [0], [0], [1], [0, 0, 1, 1], [], []>, transpose_lhs_hint = false} : vector<512x512xbf16>, vector<512x128xbf16>, vector<512x128xf32> -> vector<512x128xf32>
    %convert_element_type3A_223 = arith.truncf %dot_general3A_222 : vector<512x128xf32> to vector<512x128xbf16>
    %slice3A_224 = vector.extract_strided_slice %mul3A_38 {offsets = [0, 896], sizes = [512, 128], strides = [1, 1]} : vector<512x1536xf32> to vector<512x128xf32>
    %convert_element_type3A_225 = arith.truncf %slice3A_224 : vector<512x128xf32> to vector<512x128xbf16>
    %slice3A_226 = vector.extract_strided_slice %add3A_35 {offsets = [0, 2432], sizes = [512, 128], strides = [1, 1]} : vector<512x4608xf32> to vector<512x128xf32>
    %convert_element_type3A_227 = arith.truncf %slice3A_226 : vector<512x128xf32> to vector<512x128xbf16>
    %slice3A_228 = vector.extract_strided_slice %add3A_35 {offsets = [0, 3968], sizes = [512, 128], strides = [1, 1]} : vector<512x4608xf32> to vector<512x128xf32>
    %convert_element_type3A_229 = arith.truncf %slice3A_228 : vector<512x128xf32> to vector<512x128xbf16>
    %dot_general3A_230 = arith.constant dense<0.000000e+00> : vector<512x512xf32>
    %dot_general3A_231 = tpu.matmul %convert_element_type3A_225, %convert_element_type3A_227, %dot_general3A_230 {dimension_numbers = #tpu.dot_dimension_numbers<[1], [1], [0], [0], [0, 0, 1, 0], [], []>, transpose_lhs_hint = false} : vector<512x128xbf16>, vector<512x128xbf16>, vector<512x512xf32> -> vector<512x512xf32>
    %reduce_max3A_232 = arith.constant dense<0xFF800000> : vector<512xf32>
    %reduce_max3A_233 = vector.multi_reduction <maximumf>, %dot_general3A_231, %reduce_max3A_232 [1] : vector<512x512xf32> to vector<512xf32>
    %broadcast_in_dim3A_234 = vector.shape_cast %reduce_max3A_233 : vector<512xf32> to vector<512x1xf32>
    %sub3A_235 = vector.broadcast %broadcast_in_dim3A_234 : vector<512x1xf32> to vector<512x512xf32>
    %sub3A_236 = arith.subf %dot_general3A_231, %sub3A_235 : vector<512x512xf32>
    %exp3A_237 = math.exp %sub3A_236 : vector<512x512xf32>
    %mul3A_238 = arith.mulf %exp3A_237, %convert_element_type3A_24 : vector<512x512xf32>
    %reduce_sum3A_239 = arith.constant dense<0.000000e+00> : vector<512xf32>
    %reduce_sum3A_240 = vector.multi_reduction <add>, %mul3A_238, %reduce_sum3A_239 [1] : vector<512x512xf32> to vector<512xf32>
    %broadcast_in_dim3A_241 = vector.shape_cast %reduce_sum3A_240 : vector<512xf32> to vector<512x1xf32>
    %div3A_242 = arith.constant 1.000000e+00 : f32
    %div3A_243 = vector.broadcast %div3A_242 : f32 to vector<512x1xf32>
    %div3A_244 = arith.divf %div3A_243, %broadcast_in_dim3A_241 : vector<512x1xf32>
    %mul3A_245 = vector.broadcast %div3A_244 : vector<512x1xf32> to vector<512x512xf32>
    %mul3A_246 = arith.mulf %mul3A_238, %mul3A_245 : vector<512x512xf32>
    %convert_element_type3A_247 = arith.truncf %mul3A_246 : vector<512x512xf32> to vector<512x512xbf16>
    %dot_general3A_248 = arith.constant dense<0.000000e+00> : vector<512x128xf32>
    %dot_general3A_249 = tpu.matmul %convert_element_type3A_247, %convert_element_type3A_229, %dot_general3A_248 {dimension_numbers = #tpu.dot_dimension_numbers<[1], [0], [0], [1], [0, 0, 1, 1], [], []>, transpose_lhs_hint = false} : vector<512x512xbf16>, vector<512x128xbf16>, vector<512x128xf32> -> vector<512x128xf32>
    %convert_element_type3A_250 = arith.truncf %dot_general3A_249 : vector<512x128xf32> to vector<512x128xbf16>
    %slice3A_251 = vector.extract_strided_slice %mul3A_38 {offsets = [0, 1024], sizes = [512, 128], strides = [1, 1]} : vector<512x1536xf32> to vector<512x128xf32>
    %convert_element_type3A_252 = arith.truncf %slice3A_251 : vector<512x128xf32> to vector<512x128xbf16>
    %slice3A_253 = vector.extract_strided_slice %add3A_35 {offsets = [0, 2560], sizes = [512, 128], strides = [1, 1]} : vector<512x4608xf32> to vector<512x128xf32>
    %convert_element_type3A_254 = arith.truncf %slice3A_253 : vector<512x128xf32> to vector<512x128xbf16>
    %slice3A_255 = vector.extract_strided_slice %add3A_35 {offsets = [0, 4096], sizes = [512, 128], strides = [1, 1]} : vector<512x4608xf32> to vector<512x128xf32>
    %convert_element_type3A_256 = arith.truncf %slice3A_255 : vector<512x128xf32> to vector<512x128xbf16>
    %dot_general3A_257 = arith.constant dense<0.000000e+00> : vector<512x512xf32>
    %dot_general3A_258 = tpu.matmul %convert_element_type3A_252, %convert_element_type3A_254, %dot_general3A_257 {dimension_numbers = #tpu.dot_dimension_numbers<[1], [1], [0], [0], [0, 0, 1, 0], [], []>, transpose_lhs_hint = false} : vector<512x128xbf16>, vector<512x128xbf16>, vector<512x512xf32> -> vector<512x512xf32>
    %reduce_max3A_259 = arith.constant dense<0xFF800000> : vector<512xf32>
    %reduce_max3A_260 = vector.multi_reduction <maximumf>, %dot_general3A_258, %reduce_max3A_259 [1] : vector<512x512xf32> to vector<512xf32>
    %broadcast_in_dim3A_261 = vector.shape_cast %reduce_max3A_260 : vector<512xf32> to vector<512x1xf32>
    %sub3A_262 = vector.broadcast %broadcast_in_dim3A_261 : vector<512x1xf32> to vector<512x512xf32>
    %sub3A_263 = arith.subf %dot_general3A_258, %sub3A_262 : vector<512x512xf32>
    %exp3A_264 = math.exp %sub3A_263 : vector<512x512xf32>
    %mul3A_265 = arith.mulf %exp3A_264, %convert_element_type3A_24 : vector<512x512xf32>
    %reduce_sum3A_266 = arith.constant dense<0.000000e+00> : vector<512xf32>
    %reduce_sum3A_267 = vector.multi_reduction <add>, %mul3A_265, %reduce_sum3A_266 [1] : vector<512x512xf32> to vector<512xf32>
    %broadcast_in_dim3A_268 = vector.shape_cast %reduce_sum3A_267 : vector<512xf32> to vector<512x1xf32>
    %div3A_269 = arith.constant 1.000000e+00 : f32
    %div3A_270 = vector.broadcast %div3A_269 : f32 to vector<512x1xf32>
    %div3A_271 = arith.divf %div3A_270, %broadcast_in_dim3A_268 : vector<512x1xf32>
    %mul3A_272 = vector.broadcast %div3A_271 : vector<512x1xf32> to vector<512x512xf32>
    %mul3A_273 = arith.mulf %mul3A_265, %mul3A_272 : vector<512x512xf32>
    %convert_element_type3A_274 = arith.truncf %mul3A_273 : vector<512x512xf32> to vector<512x512xbf16>
    %dot_general3A_275 = arith.constant dense<0.000000e+00> : vector<512x128xf32>
    %dot_general3A_276 = tpu.matmul %convert_element_type3A_274, %convert_element_type3A_256, %dot_general3A_275 {dimension_numbers = #tpu.dot_dimension_numbers<[1], [0], [0], [1], [0, 0, 1, 1], [], []>, transpose_lhs_hint = false} : vector<512x512xbf16>, vector<512x128xbf16>, vector<512x128xf32> -> vector<512x128xf32>
    %convert_element_type3A_277 = arith.truncf %dot_general3A_276 : vector<512x128xf32> to vector<512x128xbf16>
    %slice3A_278 = vector.extract_strided_slice %mul3A_38 {offsets = [0, 1152], sizes = [512, 128], strides = [1, 1]} : vector<512x1536xf32> to vector<512x128xf32>
    %convert_element_type3A_279 = arith.truncf %slice3A_278 : vector<512x128xf32> to vector<512x128xbf16>
    %slice3A_280 = vector.extract_strided_slice %add3A_35 {offsets = [0, 2688], sizes = [512, 128], strides = [1, 1]} : vector<512x4608xf32> to vector<512x128xf32>
    %convert_element_type3A_281 = arith.truncf %slice3A_280 : vector<512x128xf32> to vector<512x128xbf16>
    %slice3A_282 = vector.extract_strided_slice %add3A_35 {offsets = [0, 4224], sizes = [512, 128], strides = [1, 1]} : vector<512x4608xf32> to vector<512x128xf32>
    %convert_element_type3A_283 = arith.truncf %slice3A_282 : vector<512x128xf32> to vector<512x128xbf16>
    %dot_general3A_284 = arith.constant dense<0.000000e+00> : vector<512x512xf32>
    %dot_general3A_285 = tpu.matmul %convert_element_type3A_279, %convert_element_type3A_281, %dot_general3A_284 {dimension_numbers = #tpu.dot_dimension_numbers<[1], [1], [0], [0], [0, 0, 1, 0], [], []>, transpose_lhs_hint = false} : vector<512x128xbf16>, vector<512x128xbf16>, vector<512x512xf32> -> vector<512x512xf32>
    %reduce_max3A_286 = arith.constant dense<0xFF800000> : vector<512xf32>
    %reduce_max3A_287 = vector.multi_reduction <maximumf>, %dot_general3A_285, %reduce_max3A_286 [1] : vector<512x512xf32> to vector<512xf32>
    %broadcast_in_dim3A_288 = vector.shape_cast %reduce_max3A_287 : vector<512xf32> to vector<512x1xf32>
    %sub3A_289 = vector.broadcast %broadcast_in_dim3A_288 : vector<512x1xf32> to vector<512x512xf32>
    %sub3A_290 = arith.subf %dot_general3A_285, %sub3A_289 : vector<512x512xf32>
    %exp3A_291 = math.exp %sub3A_290 : vector<512x512xf32>
    %mul3A_292 = arith.mulf %exp3A_291, %convert_element_type3A_24 : vector<512x512xf32>
    %reduce_sum3A_293 = arith.constant dense<0.000000e+00> : vector<512xf32>
    %reduce_sum3A_294 = vector.multi_reduction <add>, %mul3A_292, %reduce_sum3A_293 [1] : vector<512x512xf32> to vector<512xf32>
    %broadcast_in_dim3A_295 = vector.shape_cast %reduce_sum3A_294 : vector<512xf32> to vector<512x1xf32>
    %div3A_296 = arith.constant 1.000000e+00 : f32
    %div3A_297 = vector.broadcast %div3A_296 : f32 to vector<512x1xf32>
    %div3A_298 = arith.divf %div3A_297, %broadcast_in_dim3A_295 : vector<512x1xf32>
    %mul3A_299 = vector.broadcast %div3A_298 : vector<512x1xf32> to vector<512x512xf32>
    %mul3A_300 = arith.mulf %mul3A_292, %mul3A_299 : vector<512x512xf32>
    %convert_element_type3A_301 = arith.truncf %mul3A_300 : vector<512x512xf32> to vector<512x512xbf16>
    %dot_general3A_302 = arith.constant dense<0.000000e+00> : vector<512x128xf32>
    %dot_general3A_303 = tpu.matmul %convert_element_type3A_301, %convert_element_type3A_283, %dot_general3A_302 {dimension_numbers = #tpu.dot_dimension_numbers<[1], [0], [0], [1], [0, 0, 1, 1], [], []>, transpose_lhs_hint = false} : vector<512x512xbf16>, vector<512x128xbf16>, vector<512x128xf32> -> vector<512x128xf32>
    %convert_element_type3A_304 = arith.truncf %dot_general3A_303 : vector<512x128xf32> to vector<512x128xbf16>
    %slice3A_305 = vector.extract_strided_slice %mul3A_38 {offsets = [0, 1280], sizes = [512, 128], strides = [1, 1]} : vector<512x1536xf32> to vector<512x128xf32>
    %convert_element_type3A_306 = arith.truncf %slice3A_305 : vector<512x128xf32> to vector<512x128xbf16>
    %slice3A_307 = vector.extract_strided_slice %add3A_35 {offsets = [0, 2816], sizes = [512, 128], strides = [1, 1]} : vector<512x4608xf32> to vector<512x128xf32>
    %convert_element_type3A_308 = arith.truncf %slice3A_307 : vector<512x128xf32> to vector<512x128xbf16>
    %slice3A_309 = vector.extract_strided_slice %add3A_35 {offsets = [0, 4352], sizes = [512, 128], strides = [1, 1]} : vector<512x4608xf32> to vector<512x128xf32>
    %convert_element_type3A_310 = arith.truncf %slice3A_309 : vector<512x128xf32> to vector<512x128xbf16>
    %dot_general3A_311 = arith.constant dense<0.000000e+00> : vector<512x512xf32>
    %dot_general3A_312 = tpu.matmul %convert_element_type3A_306, %convert_element_type3A_308, %dot_general3A_311 {dimension_numbers = #tpu.dot_dimension_numbers<[1], [1], [0], [0], [0, 0, 1, 0], [], []>, transpose_lhs_hint = false} : vector<512x128xbf16>, vector<512x128xbf16>, vector<512x512xf32> -> vector<512x512xf32>
    %reduce_max3A_313 = arith.constant dense<0xFF800000> : vector<512xf32>
    %reduce_max3A_314 = vector.multi_reduction <maximumf>, %dot_general3A_312, %reduce_max3A_313 [1] : vector<512x512xf32> to vector<512xf32>
    %broadcast_in_dim3A_315 = vector.shape_cast %reduce_max3A_314 : vector<512xf32> to vector<512x1xf32>
    %sub3A_316 = vector.broadcast %broadcast_in_dim3A_315 : vector<512x1xf32> to vector<512x512xf32>
    %sub3A_317 = arith.subf %dot_general3A_312, %sub3A_316 : vector<512x512xf32>
    %exp3A_318 = math.exp %sub3A_317 : vector<512x512xf32>
    %mul3A_319 = arith.mulf %exp3A_318, %convert_element_type3A_24 : vector<512x512xf32>
    %reduce_sum3A_320 = arith.constant dense<0.000000e+00> : vector<512xf32>
    %reduce_sum3A_321 = vector.multi_reduction <add>, %mul3A_319, %reduce_sum3A_320 [1] : vector<512x512xf32> to vector<512xf32>
    %broadcast_in_dim3A_322 = vector.shape_cast %reduce_sum3A_321 : vector<512xf32> to vector<512x1xf32>
    %div3A_323 = arith.constant 1.000000e+00 : f32
    %div3A_324 = vector.broadcast %div3A_323 : f32 to vector<512x1xf32>
    %div3A_325 = arith.divf %div3A_324, %broadcast_in_dim3A_322 : vector<512x1xf32>
    %mul3A_326 = vector.broadcast %div3A_325 : vector<512x1xf32> to vector<512x512xf32>
    %mul3A_327 = arith.mulf %mul3A_319, %mul3A_326 : vector<512x512xf32>
    %convert_element_type3A_328 = arith.truncf %mul3A_327 : vector<512x512xf32> to vector<512x512xbf16>
    %dot_general3A_329 = arith.constant dense<0.000000e+00> : vector<512x128xf32>
    %dot_general3A_330 = tpu.matmul %convert_element_type3A_328, %convert_element_type3A_310, %dot_general3A_329 {dimension_numbers = #tpu.dot_dimension_numbers<[1], [0], [0], [1], [0, 0, 1, 1], [], []>, transpose_lhs_hint = false} : vector<512x512xbf16>, vector<512x128xbf16>, vector<512x128xf32> -> vector<512x128xf32>
    %convert_element_type3A_331 = arith.truncf %dot_general3A_330 : vector<512x128xf32> to vector<512x128xbf16>
    %slice3A_332 = vector.extract_strided_slice %mul3A_38 {offsets = [0, 1408], sizes = [512, 128], strides = [1, 1]} : vector<512x1536xf32> to vector<512x128xf32>
    %convert_element_type3A_333 = arith.truncf %slice3A_332 : vector<512x128xf32> to vector<512x128xbf16>
    %slice3A_334 = vector.extract_strided_slice %add3A_35 {offsets = [0, 2944], sizes = [512, 128], strides = [1, 1]} : vector<512x4608xf32> to vector<512x128xf32>
    %convert_element_type3A_335 = arith.truncf %slice3A_334 : vector<512x128xf32> to vector<512x128xbf16>
    %slice3A_336 = vector.extract_strided_slice %add3A_35 {offsets = [0, 4480], sizes = [512, 128], strides = [1, 1]} : vector<512x4608xf32> to vector<512x128xf32>
    %convert_element_type3A_337 = arith.truncf %slice3A_336 : vector<512x128xf32> to vector<512x128xbf16>
    %dot_general3A_338 = arith.constant dense<0.000000e+00> : vector<512x512xf32>
    %dot_general3A_339 = tpu.matmul %convert_element_type3A_333, %convert_element_type3A_335, %dot_general3A_338 {dimension_numbers = #tpu.dot_dimension_numbers<[1], [1], [0], [0], [0, 0, 1, 0], [], []>, transpose_lhs_hint = false} : vector<512x128xbf16>, vector<512x128xbf16>, vector<512x512xf32> -> vector<512x512xf32>
    %reduce_max3A_340 = arith.constant dense<0xFF800000> : vector<512xf32>
    %reduce_max3A_341 = vector.multi_reduction <maximumf>, %dot_general3A_339, %reduce_max3A_340 [1] : vector<512x512xf32> to vector<512xf32>
    %broadcast_in_dim3A_342 = vector.shape_cast %reduce_max3A_341 : vector<512xf32> to vector<512x1xf32>
    %sub3A_343 = vector.broadcast %broadcast_in_dim3A_342 : vector<512x1xf32> to vector<512x512xf32>
    %sub3A_344 = arith.subf %dot_general3A_339, %sub3A_343 : vector<512x512xf32>
    %exp3A_345 = math.exp %sub3A_344 : vector<512x512xf32>
    %mul3A_346 = arith.mulf %exp3A_345, %convert_element_type3A_24 : vector<512x512xf32>
    %reduce_sum3A_347 = arith.constant dense<0.000000e+00> : vector<512xf32>
    %reduce_sum3A_348 = vector.multi_reduction <add>, %mul3A_346, %reduce_sum3A_347 [1] : vector<512x512xf32> to vector<512xf32>
    %broadcast_in_dim3A_349 = vector.shape_cast %reduce_sum3A_348 : vector<512xf32> to vector<512x1xf32>
    %div3A_350 = arith.constant 1.000000e+00 : f32
    %div3A_351 = vector.broadcast %div3A_350 : f32 to vector<512x1xf32>
    %div3A_352 = arith.divf %div3A_351, %broadcast_in_dim3A_349 : vector<512x1xf32>
    %mul3A_353 = vector.broadcast %div3A_352 : vector<512x1xf32> to vector<512x512xf32>
    %mul3A_354 = arith.mulf %mul3A_346, %mul3A_353 : vector<512x512xf32>
    %convert_element_type3A_355 = arith.truncf %mul3A_354 : vector<512x512xf32> to vector<512x512xbf16>
    %dot_general3A_356 = arith.constant dense<0.000000e+00> : vector<512x128xf32>
    %dot_general3A_357 = tpu.matmul %convert_element_type3A_355, %convert_element_type3A_337, %dot_general3A_356 {dimension_numbers = #tpu.dot_dimension_numbers<[1], [0], [0], [1], [0, 0, 1, 1], [], []>, transpose_lhs_hint = false} : vector<512x512xbf16>, vector<512x128xbf16>, vector<512x128xf32> -> vector<512x128xf32>
    %convert_element_type3A_358 = arith.truncf %dot_general3A_357 : vector<512x128xf32> to vector<512x128xbf16>
    %concatenate3A = tpu.concatenate %convert_element_type3A_61, %convert_element_type3A_88, %convert_element_type3A_115, %convert_element_type3A_142, %convert_element_type3A_169, %convert_element_type3A_196, %convert_element_type3A_223, %convert_element_type3A_250, %convert_element_type3A_277, %convert_element_type3A_304, %convert_element_type3A_331, %convert_element_type3A_358 in 1 : vector<512x128xbf16>, vector<512x128xbf16>, vector<512x128xbf16>, vector<512x128xbf16>, vector<512x128xbf16>, vector<512x128xbf16>, vector<512x128xbf16>, vector<512x128xbf16>, vector<512x128xbf16>, vector<512x128xbf16>, vector<512x128xbf16>, vector<512x128xbf16> -> vector<512x1536xbf16>
    %iota3A_359 = tpu.iota {dimensions = array<i32: 0>} : vector<256x1xi32>
    %convert_element_type3A_360 = arith.sitofp %iota3A_359 : vector<256x1xi32> to vector<256x1xf32>
    %add3A_361 = arith.constant 1.000000e+00 : f32
    %add3A_362 = vector.broadcast %add3A_361 : f32 to vector<256x1xf32>
    %add3A_363 = arith.addf %add3A_362, %convert_element_type3A_360 : vector<256x1xf32>
    %eq3A_364 = vector.broadcast %add3A_363 : vector<256x1xf32> to vector<256x512xf32>
    %eq3A_365 = vector.broadcast %dot_general3A_20 : vector<1x512xf32> to vector<256x512xf32>
    %eq3A_366 = arith.cmpf oeq, %eq3A_364, %eq3A_365 : vector<256x512xf32>
    %convert_element_type3A_367 = arith.extui %eq3A_366 : vector<256x512xi1> to vector<256x512xi32>
    %convert_element_type3A_368 = arith.sitofp %convert_element_type3A_367 : vector<256x512xi32> to vector<256x512xf32>
    %reduce_sum3A_369 = arith.constant dense<0.000000e+00> : vector<256xf32>
    %reduce_sum3A_370 = vector.multi_reduction <add>, %convert_element_type3A_368, %reduce_sum3A_369 [1] : vector<256x512xf32> to vector<256xf32>
    %broadcast_in_dim3A_371 = vector.shape_cast %reduce_sum3A_370 : vector<256xf32> to vector<256x1xf32>
    %convert_element_type3A_372 = arith.truncf %convert_element_type3A_368 : vector<256x512xf32> to vector<256x512xbf16>
    %dot_general3A_373 = arith.constant dense<0.000000e+00> : vector<256x1536xf32>
    %dot_general3A_374 = tpu.matmul %convert_element_type3A_372, %concatenate3A, %dot_general3A_373 {dimension_numbers = #tpu.dot_dimension_numbers<[1], [0], [0], [1], [0, 0, 1, 1], [], []>, transpose_lhs_hint = false} : vector<256x512xbf16>, vector<512x1536xbf16>, vector<256x1536xf32> -> vector<256x1536xf32>
    %max3A = arith.constant 1.000000e+00 : f32
    %max3A_375 = vector.broadcast %max3A : f32 to vector<256x1xf32>
    %max3A_376 = arith.maximumf %broadcast_in_dim3A_371, %max3A_375 : vector<256x1xf32>
    %div3A_377 = arith.constant 1.000000e+00 : f32
    %div3A_378 = vector.broadcast %div3A_377 : f32 to vector<256x1xf32>
    %div3A_379 = arith.divf %div3A_378, %max3A_376 : vector<256x1xf32>
    %mul3A_380 = vector.broadcast %div3A_379 : vector<256x1xf32> to vector<256x1536xf32>
    %mul3A_381 = arith.mulf %dot_general3A_374, %mul3A_380 : vector<256x1536xf32>
    %convert_element_type3A_382 = arith.truncf %mul3A_381 : vector<256x1536xf32> to vector<256x1536xbf16>
    %get3A_383 = arith.constant 0 : index
    %get3A_384 = arith.constant 0 : index
    %get3A_385 = vector.load %arg5[%get3A_383, %get3A_384] : memref<1536x1536xbf16, #tpu.memory_space<vmem>>, vector<1536x1536xbf16>
    %dot_general3A_386 = arith.constant dense<0.000000e+00> : vector<256x1536xf32>
    %dot_general3A_387 = tpu.matmul %convert_element_type3A_382, %get3A_385, %dot_general3A_386 {dimension_numbers = #tpu.dot_dimension_numbers<[1], [1], [0], [0], [0, 0, 1, 0], [], []>, transpose_lhs_hint = false} : vector<256x1536xbf16>, vector<1536x1536xbf16>, vector<256x1536xf32> -> vector<256x1536xf32>
    %get3A_388 = arith.constant 0 : index
    %get3A_389 = arith.constant 0 : index
    %get3A_390 = vector.load %arg6[%get3A_388, %get3A_389] : memref<1x1536xf32, #tpu.memory_space<vmem>>, vector<1x1536xf32>
    %get3A_391 = vector.shape_cast %get3A_390 : vector<1x1536xf32> to vector<1536xf32>
    %broadcast_in_dim3A_392 = vector.shape_cast %get3A_391 : vector<1536xf32> to vector<1x1536xf32>
    %add3A_393 = vector.broadcast %broadcast_in_dim3A_392 : vector<1x1536xf32> to vector<256x1536xf32>
    %add3A_394 = arith.addf %dot_general3A_387, %add3A_393 : vector<256x1536xf32>
    %gt3A_395 = arith.constant 0.000000e+00 : f32
    %gt3A_396 = vector.broadcast %gt3A_395 : f32 to vector<256x1xf32>
    %gt3A_397 = arith.cmpf ogt, %broadcast_in_dim3A_371, %gt3A_396 : vector<256x1xf32>
    %convert_element_type3A_398 = arith.extui %gt3A_397 : vector<256x1xi1> to vector<256x1xi32>
    %convert_element_type3A_399 = arith.sitofp %convert_element_type3A_398 : vector<256x1xi32> to vector<256x1xf32>
    %mul3A_400 = vector.broadcast %convert_element_type3A_399 : vector<256x1xf32> to vector<256x1536xf32>
    %mul3A_401 = arith.mulf %add3A_394, %mul3A_400 : vector<256x1536xf32>
    %swap3A = arith.constant 0 : index
    %swap3A_402 = arith.constant 0 : index
    %swap3A_403 = arith.constant 0 : index
    %swap3A_404 = vector.load %arg7[%swap3A, %swap3A_402, %swap3A_403] : memref<1x256x1536xf32, #tpu.memory_space<vmem>>, vector<1x256x1536xf32>
    %swap3A_405 = vector.shape_cast %swap3A_404 : vector<1x256x1536xf32> to vector<256x1536xf32>
    %swap3A_406 = vector.shape_cast %mul3A_401 : vector<256x1536xf32> to vector<1x256x1536xf32>
    tpu.vector_store %arg7[%swap3A, %swap3A_402, %swap3A_403], %swap3A_406 {strides = array<i32>} : memref<1x256x1536xf32, #tpu.memory_space<vmem>>, vector<1x256x1536xf32>,
    return
  }
  func.func @transform_0(%arg0: i32) -> (i32, i32, i32) {
    %c0_i32 = arith.constant 0 : i32
    %c0_i32_0 = arith.constant 0 : i32
    %c0_i32_1 = arith.constant 0 : i32
    return %arg0, %c0_i32, %c0_i32_0 : i32, i32, i32
  }
  func.func @transform_1(%arg0: i32) -> (i32, i32, i32) {
    %c0_i32 = arith.constant 0 : i32
    %c0_i32_0 = arith.constant 0 : i32
    %c0_i32_1 = arith.constant 0 : i32
    return %arg0, %c0_i32, %c0_i32_0 : i32, i32, i32
  }
  func.func @transform_2(%arg0: i32) -> (i32, i32) {
    %c0_i32 = arith.constant 0 : i32
    %c0_i32_0 = arith.constant 0 : i32
    %c0_i32_1 = arith.constant 0 : i32
    return %c0_i32, %c0_i32_0 : i32, i32
  }
  func.func @transform_3(%arg0: i32) -> (i32, i32) {
    %c0_i32 = arith.constant 0 : i32
    %c0_i32_0 = arith.constant 0 : i32
    %c0_i32_1 = arith.constant 0 : i32
    return %c0_i32, %c0_i32_0 : i32, i32
  }
  func.func @transform_4(%arg0: i32) -> (i32, i32) {
    %c0_i32 = arith.constant 0 : i32
    %c0_i32_0 = arith.constant 0 : i32
    %c0_i32_1 = arith.constant 0 : i32
    return %c0_i32, %c0_i32_0 : i32, i32
  }
  func.func @transform_5(%arg0: i32) -> (i32, i32) {
    %c0_i32 = arith.constant 0 : i32
    %c0_i32_0 = arith.constant 0 : i32
    %c0_i32_1 = arith.constant 0 : i32
    return %c0_i32, %c0_i32_0 : i32, i32
  }
  func.func @transform_6(%arg0: i32) -> (i32, i32, i32) {
    %c0_i32 = arith.constant 0 : i32
    %c0_i32_0 = arith.constant 0 : i32
    %c0_i32_1 = arith.constant 0 : i32
    return %arg0, %c0_i32, %c0_i32_0 : i32, i32, i32
  }
}

module attributes {stable_mosaic.version = 14 : i64} {
  func.func @_mlp_kernel(%arg0: i32, %arg1: memref<1x256x1536xf32, #tpu.memory_space<vmem>>, %arg2: memref<1x1x512xf32, #tpu.memory_space<vmem>>, %arg3: memref<1x256x1536xf32, #tpu.memory_space<vmem>>, %arg4: memref<256x1536xf32, #tpu.memory_space<vmem>>, %arg5: memref<3072x1536xbf16, #tpu.memory_space<vmem>>, %arg6: memref<1x3072xf32, #tpu.memory_space<vmem>>, %arg7: memref<1536x3072xbf16, #tpu.memory_space<vmem>>, %arg8: memref<1x1536xf32, #tpu.memory_space<vmem>>, %arg9: memref<1x1536xf32, #tpu.memory_space<vmem>>, %arg10: memref<1x1536xf32, #tpu.memory_space<vmem>>, %arg11: memref<1x256x1536xf32, #tpu.memory_space<vmem>>) attributes {dimension_semantics = [#tpu.dimension_semantics<arbitrary>], iteration_bounds = array<i64: 4>, scalar_prefetch = 0 : i64, scratch_operands = 0 : i64, tpu.core_type = #tpu.core_type<tc>, window_params = [{transform_indices = @transform_0, window_bounds = array<i64: 1, 256, 1536>}, {transform_indices = @transform_1, window_bounds = array<i64: 1, 1, 512>}, {transform_indices = @transform_2, window_bounds = array<i64: 1, 256, 1536>}, {pipeline_mode = #tpu.pipeline_mode<synchronous>, transform_indices = @transform_3, window_bounds = array<i64: 256, 1536>}, {pipeline_mode = #tpu.pipeline_mode<synchronous>, transform_indices = @transform_4, window_bounds = array<i64: 3072, 1536>}, {pipeline_mode = #tpu.pipeline_mode<synchronous>, transform_indices = @transform_5, window_bounds = array<i64: 1, 3072>}, {pipeline_mode = #tpu.pipeline_mode<synchronous>, transform_indices = @transform_6, window_bounds = array<i64: 1536, 3072>}, {pipeline_mode = #tpu.pipeline_mode<synchronous>, transform_indices = @transform_7, window_bounds = array<i64: 1, 1536>}, {pipeline_mode = #tpu.pipeline_mode<synchronous>, transform_indices = @transform_8, window_bounds = array<i64: 1, 1536>}, {pipeline_mode = #tpu.pipeline_mode<synchronous>, transform_indices = @transform_9, window_bounds = array<i64: 1, 1536>}, {transform_indices = @transform_10, window_bounds = array<i64: 1, 256, 1536>}]} {
    %get3A = arith.constant 0 : index
    %get3A_0 = arith.constant 0 : index
    %get3A_1 = arith.constant 0 : index
    %get3A_2 = vector.load %arg2[%get3A, %get3A_0, %get3A_1] : memref<1x1x512xf32, #tpu.memory_space<vmem>>, vector<1x1x512xf32>
    %get3A_3 = vector.shape_cast %get3A_2 : vector<1x1x512xf32> to vector<1x512xf32>
    %gt3A = arith.constant 0.899999976 : f32
    %gt3A_4 = vector.broadcast %gt3A : f32 to vector<1x512xf32>
    %gt3A_5 = arith.cmpf ogt, %get3A_3, %gt3A_4 : vector<1x512xf32>
    %convert_element_type3A = arith.extui %gt3A_5 : vector<1x512xi1> to vector<1x512xi32>
    %convert_element_type3A_6 = arith.sitofp %convert_element_type3A : vector<1x512xi32> to vector<1x512xf32>
    %iota3A = tpu.iota {dimensions = array<i32: 0>} : vector<512x512xi32>
    %iota3A_7 = tpu.iota {dimensions = array<i32: 1>} : vector<512x512xi32>
    %le3A = arith.cmpi sle, %iota3A, %iota3A_7 : vector<512x512xi32>
    %convert_element_type3A_8 = arith.extui %le3A : vector<512x512xi1> to vector<512x512xi32>
    %convert_element_type3A_9 = arith.sitofp %convert_element_type3A_8 : vector<512x512xi32> to vector<512x512xf32>
    %dot_general3A = arith.constant dense<0.000000e+00> : vector<1x512xf32>
    %dot_general3A_10 = tpu.matmul %convert_element_type3A_6, %convert_element_type3A_9, %dot_general3A {dimension_numbers = #tpu.dot_dimension_numbers<[1], [0], [0], [1], [0, 0, 1, 1], [], []>, transpose_lhs_hint = false} : vector<1x512xf32>, vector<512x512xf32>, vector<1x512xf32> -> vector<1x512xf32>
    %iota3A_11 = tpu.iota {dimensions = array<i32: 0>} : vector<256x1xi32>
    %convert_element_type3A_12 = arith.sitofp %iota3A_11 : vector<256x1xi32> to vector<256x1xf32>
    %add3A = arith.constant 1.000000e+00 : f32
    %add3A_13 = vector.broadcast %add3A : f32 to vector<256x1xf32>
    %add3A_14 = arith.addf %add3A_13, %convert_element_type3A_12 : vector<256x1xf32>
    %eq3A = vector.broadcast %add3A_14 : vector<256x1xf32> to vector<256x512xf32>
    %eq3A_15 = vector.broadcast %dot_general3A_10 : vector<1x512xf32> to vector<256x512xf32>
    %eq3A_16 = arith.cmpf oeq, %eq3A, %eq3A_15 : vector<256x512xf32>
    %convert_element_type3A_17 = arith.extui %eq3A_16 : vector<256x512xi1> to vector<256x512xi32>
    %convert_element_type3A_18 = arith.sitofp %convert_element_type3A_17 : vector<256x512xi32> to vector<256x512xf32>
    %reduce_sum3A = arith.constant dense<0.000000e+00> : vector<256xf32>
    %reduce_sum3A_19 = vector.multi_reduction <add>, %convert_element_type3A_18, %reduce_sum3A [1] : vector<256x512xf32> to vector<256xf32>
    %broadcast_in_dim3A = vector.shape_cast %reduce_sum3A_19 : vector<256xf32> to vector<256x1xf32>
    %gt3A_20 = arith.constant 0.000000e+00 : f32
    %gt3A_21 = vector.broadcast %gt3A_20 : f32 to vector<256x1xf32>
    %gt3A_22 = arith.cmpf ogt, %broadcast_in_dim3A, %gt3A_21 : vector<256x1xf32>
    %convert_element_type3A_23 = arith.extui %gt3A_22 : vector<256x1xi1> to vector<256x1xi32>
    %convert_element_type3A_24 = arith.sitofp %convert_element_type3A_23 : vector<256x1xi32> to vector<256x1xf32>
    %get3A_25 = arith.constant 0 : index
    %get3A_26 = arith.constant 0 : index
    %get3A_27 = arith.constant 0 : index
    %get3A_28 = vector.load %arg1[%get3A_25, %get3A_26, %get3A_27] : memref<1x256x1536xf32, #tpu.memory_space<vmem>>, vector<1x256x1536xf32>
    %get3A_29 = vector.shape_cast %get3A_28 : vector<1x256x1536xf32> to vector<256x1536xf32>
    %get3A_30 = arith.constant 0 : index
    %get3A_31 = arith.constant 0 : index
    %get3A_32 = arith.constant 0 : index
    %get3A_33 = vector.load %arg3[%get3A_30, %get3A_31, %get3A_32] : memref<1x256x1536xf32, #tpu.memory_space<vmem>>, vector<1x256x1536xf32>
    %get3A_34 = vector.shape_cast %get3A_33 : vector<1x256x1536xf32> to vector<256x1536xf32>
    %mul3A = vector.broadcast %convert_element_type3A_24 : vector<256x1xf32> to vector<256x1536xf32>
    %mul3A_35 = arith.mulf %mul3A, %get3A_34 : vector<256x1536xf32>
    %add3A_36 = arith.addf %get3A_29, %mul3A_35 : vector<256x1536xf32>
    %get3A_37 = arith.constant 0 : index
    %get3A_38 = arith.constant 0 : index
    %get3A_39 = vector.load %arg4[%get3A_37, %get3A_38] : memref<256x1536xf32, #tpu.memory_space<vmem>>, vector<256x1536xf32>
    %add3A_40 = arith.addf %add3A_36, %get3A_39 : vector<256x1536xf32>
    %convert_element_type3A_41 = arith.truncf %add3A_40 : vector<256x1536xf32> to vector<256x1536xbf16>
    %get3A_42 = arith.constant 0 : index
    %get3A_43 = arith.constant 0 : index
    %get3A_44 = vector.load %arg5[%get3A_42, %get3A_43] : memref<3072x1536xbf16, #tpu.memory_space<vmem>>, vector<3072x1536xbf16>
    %dot_general3A_45 = arith.constant dense<0.000000e+00> : vector<256x3072xf32>
    %dot_general3A_46 = tpu.matmul %convert_element_type3A_41, %get3A_44, %dot_general3A_45 {dimension_numbers = #tpu.dot_dimension_numbers<[1], [1], [0], [0], [0, 0, 1, 0], [], []>, transpose_lhs_hint = false} : vector<256x1536xbf16>, vector<3072x1536xbf16>, vector<256x3072xf32> -> vector<256x3072xf32>
    %get3A_47 = arith.constant 0 : index
    %get3A_48 = arith.constant 0 : index
    %get3A_49 = vector.load %arg6[%get3A_47, %get3A_48] : memref<1x3072xf32, #tpu.memory_space<vmem>>, vector<1x3072xf32>
    %get3A_50 = vector.shape_cast %get3A_49 : vector<1x3072xf32> to vector<3072xf32>
    %broadcast_in_dim3A_51 = vector.shape_cast %get3A_50 : vector<3072xf32> to vector<1x3072xf32>
    %add3A_52 = vector.broadcast %broadcast_in_dim3A_51 : vector<1x3072xf32> to vector<256x3072xf32>
    %add3A_53 = arith.addf %dot_general3A_46, %add3A_52 : vector<256x3072xf32>
    %mul3A_54 = arith.constant 5.000000e-01 : f32
    %mul3A_55 = vector.broadcast %mul3A_54 : f32 to vector<256x3072xf32>
    %mul3A_56 = arith.mulf %mul3A_55, %add3A_53 : vector<256x3072xf32>
    %mul3A_57 = arith.constant 0.707106769 : f32
    %mul3A_58 = vector.broadcast %mul3A_57 : f32 to vector<256x3072xf32>
    %mul3A_59 = arith.mulf %add3A_53, %mul3A_58 : vector<256x3072xf32>
    %lt3A = arith.constant 0.000000e+00 : f32
    %lt3A_60 = vector.broadcast %lt3A : f32 to vector<256x3072xf32>
    %lt3A_61 = arith.cmpf olt, %mul3A_59, %lt3A_60 : vector<256x3072xf32>
    %jit3A = arith.constant -1.000000e+00 : f32
    %jit3A_62 = arith.constant 1.000000e+00 : f32
    %broadcast_in_dim3A_63 = vector.broadcast %jit3A : f32 to vector<256x3072xf32>
    %broadcast_in_dim3A_64 = vector.broadcast %jit3A_62 : f32 to vector<256x3072xf32>
    %select_n3A = arith.select %lt3A_61, %broadcast_in_dim3A_63, %broadcast_in_dim3A_64 : vector<256x3072xi1>, vector<256x3072xf32>
    %abs3A = math.absf %mul3A_59 : vector<256x3072xf32>
    %mul3A_65 = arith.constant 0.327591091 : f32
    %mul3A_66 = vector.broadcast %mul3A_65 : f32 to vector<256x3072xf32>
    %mul3A_67 = arith.mulf %mul3A_66, %abs3A : vector<256x3072xf32>
    %add3A_68 = arith.constant 1.000000e+00 : f32
    %add3A_69 = vector.broadcast %add3A_68 : f32 to vector<256x3072xf32>
    %add3A_70 = arith.addf %add3A_69, %mul3A_67 : vector<256x3072xf32>
    %div3A = arith.constant 1.000000e+00 : f32
    %div3A_71 = vector.broadcast %div3A : f32 to vector<256x3072xf32>
    %div3A_72 = arith.divf %div3A_71, %add3A_70 : vector<256x3072xf32>
    %mul3A_73 = arith.constant 1.06140542 : f32
    %mul3A_74 = vector.broadcast %mul3A_73 : f32 to vector<256x3072xf32>
    %mul3A_75 = arith.mulf %mul3A_74, %div3A_72 : vector<256x3072xf32>
    %add3A_76 = arith.constant -1.45315206 : f32
    %add3A_77 = vector.broadcast %add3A_76 : f32 to vector<256x3072xf32>
    %add3A_78 = arith.addf %mul3A_75, %add3A_77 : vector<256x3072xf32>
    %mul3A_79 = arith.mulf %add3A_78, %div3A_72 : vector<256x3072xf32>
    %add3A_80 = arith.constant 1.42141378 : f32
    %add3A_81 = vector.broadcast %add3A_80 : f32 to vector<256x3072xf32>
    %add3A_82 = arith.addf %mul3A_79, %add3A_81 : vector<256x3072xf32>
    %mul3A_83 = arith.mulf %add3A_82, %div3A_72 : vector<256x3072xf32>
    %add3A_84 = arith.constant -0.284496725 : f32
    %add3A_85 = vector.broadcast %add3A_84 : f32 to vector<256x3072xf32>
    %add3A_86 = arith.addf %mul3A_83, %add3A_85 : vector<256x3072xf32>
    %mul3A_87 = arith.mulf %add3A_86, %div3A_72 : vector<256x3072xf32>
    %add3A_88 = arith.constant 0.254829586 : f32
    %add3A_89 = vector.broadcast %add3A_88 : f32 to vector<256x3072xf32>
    %add3A_90 = arith.addf %mul3A_87, %add3A_89 : vector<256x3072xf32>
    %mul3A_91 = arith.mulf %add3A_90, %div3A_72 : vector<256x3072xf32>
    %neg3A = arith.constant 0.000000e+00 : f32
    %neg3A_92 = vector.broadcast %neg3A : f32 to vector<256x3072xf32>
    %neg3A_93 = arith.subf %neg3A_92, %abs3A : vector<256x3072xf32>
    %mul3A_94 = arith.mulf %neg3A_93, %abs3A : vector<256x3072xf32>
    %exp3A = math.exp %mul3A_94 : vector<256x3072xf32>
    %mul3A_95 = arith.mulf %mul3A_91, %exp3A : vector<256x3072xf32>
    %sub3A = arith.constant 1.000000e+00 : f32
    %sub3A_96 = vector.broadcast %sub3A : f32 to vector<256x3072xf32>
    %sub3A_97 = arith.subf %sub3A_96, %mul3A_95 : vector<256x3072xf32>
    %mul3A_98 = arith.mulf %select_n3A, %sub3A_97 : vector<256x3072xf32>
    %add3A_99 = arith.constant 1.000000e+00 : f32
    %add3A_100 = vector.broadcast %add3A_99 : f32 to vector<256x3072xf32>
    %add3A_101 = arith.addf %add3A_100, %mul3A_98 : vector<256x3072xf32>
    %mul3A_102 = arith.mulf %mul3A_56, %add3A_101 : vector<256x3072xf32>
    %convert_element_type3A_103 = arith.truncf %mul3A_102 : vector<256x3072xf32> to vector<256x3072xbf16>
    %get3A_104 = arith.constant 0 : index
    %get3A_105 = arith.constant 0 : index
    %get3A_106 = vector.load %arg7[%get3A_104, %get3A_105] : memref<1536x3072xbf16, #tpu.memory_space<vmem>>, vector<1536x3072xbf16>
    %dot_general3A_107 = arith.constant dense<0.000000e+00> : vector<256x1536xf32>
    %dot_general3A_108 = tpu.matmul %convert_element_type3A_103, %get3A_106, %dot_general3A_107 {dimension_numbers = #tpu.dot_dimension_numbers<[1], [1], [0], [0], [0, 0, 1, 0], [], []>, transpose_lhs_hint = false} : vector<256x3072xbf16>, vector<1536x3072xbf16>, vector<256x1536xf32> -> vector<256x1536xf32>
    %get3A_109 = arith.constant 0 : index
    %get3A_110 = arith.constant 0 : index
    %get3A_111 = vector.load %arg8[%get3A_109, %get3A_110] : memref<1x1536xf32, #tpu.memory_space<vmem>>, vector<1x1536xf32>
    %get3A_112 = vector.shape_cast %get3A_111 : vector<1x1536xf32> to vector<1536xf32>
    %broadcast_in_dim3A_113 = vector.shape_cast %get3A_112 : vector<1536xf32> to vector<1x1536xf32>
    %add3A_114 = vector.broadcast %broadcast_in_dim3A_113 : vector<1x1536xf32> to vector<256x1536xf32>
    %add3A_115 = arith.addf %dot_general3A_108, %add3A_114 : vector<256x1536xf32>
    %reduce_sum3A_116 = arith.constant dense<0.000000e+00> : vector<256xf32>
    %reduce_sum3A_117 = vector.multi_reduction <add>, %add3A_115, %reduce_sum3A_116 [1] : vector<256x1536xf32> to vector<256xf32>
    %broadcast_in_dim3A_118 = vector.shape_cast %reduce_sum3A_117 : vector<256xf32> to vector<256x1xf32>
    %div3A_119 = arith.constant 1.536000e+03 : f32
    %div3A_120 = vector.broadcast %div3A_119 : f32 to vector<256x1xf32>
    %div3A_121 = arith.divf %broadcast_in_dim3A_118, %div3A_120 : vector<256x1xf32>
    %sub3A_122 = vector.broadcast %div3A_121 : vector<256x1xf32> to vector<256x1536xf32>
    %sub3A_123 = arith.subf %add3A_115, %sub3A_122 : vector<256x1536xf32>
    %sub3A_124 = vector.broadcast %div3A_121 : vector<256x1xf32> to vector<256x1536xf32>
    %sub3A_125 = arith.subf %add3A_115, %sub3A_124 : vector<256x1536xf32>
    %mul3A_126 = arith.mulf %sub3A_123, %sub3A_125 : vector<256x1536xf32>
    %reduce_sum3A_127 = arith.constant dense<0.000000e+00> : vector<256xf32>
    %reduce_sum3A_128 = vector.multi_reduction <add>, %mul3A_126, %reduce_sum3A_127 [1] : vector<256x1536xf32> to vector<256xf32>
    %broadcast_in_dim3A_129 = vector.shape_cast %reduce_sum3A_128 : vector<256xf32> to vector<256x1xf32>
    %div3A_130 = arith.constant 1.536000e+03 : f32
    %div3A_131 = vector.broadcast %div3A_130 : f32 to vector<256x1xf32>
    %div3A_132 = arith.divf %broadcast_in_dim3A_129, %div3A_131 : vector<256x1xf32>
    %sub3A_133 = vector.broadcast %div3A_121 : vector<256x1xf32> to vector<256x1536xf32>
    %sub3A_134 = arith.subf %add3A_115, %sub3A_133 : vector<256x1536xf32>
    %add3A_135 = arith.constant 9.99999974E-6 : f32
    %add3A_136 = vector.broadcast %add3A_135 : f32 to vector<256x1xf32>
    %add3A_137 = arith.addf %div3A_132, %add3A_136 : vector<256x1xf32>
    %rsqrt3A = math.rsqrt %add3A_137 : vector<256x1xf32>
    %mul3A_138 = vector.broadcast %rsqrt3A : vector<256x1xf32> to vector<256x1536xf32>
    %mul3A_139 = arith.mulf %sub3A_134, %mul3A_138 : vector<256x1536xf32>
    %get3A_140 = arith.constant 0 : index
    %get3A_141 = arith.constant 0 : index
    %get3A_142 = vector.load %arg9[%get3A_140, %get3A_141] : memref<1x1536xf32, #tpu.memory_space<vmem>>, vector<1x1536xf32>
    %get3A_143 = vector.shape_cast %get3A_142 : vector<1x1536xf32> to vector<1536xf32>
    %broadcast_in_dim3A_144 = vector.shape_cast %get3A_143 : vector<1536xf32> to vector<1x1536xf32>
    %mul3A_145 = vector.broadcast %broadcast_in_dim3A_144 : vector<1x1536xf32> to vector<256x1536xf32>
    %mul3A_146 = arith.mulf %mul3A_139, %mul3A_145 : vector<256x1536xf32>
    %get3A_147 = arith.constant 0 : index
    %get3A_148 = arith.constant 0 : index
    %get3A_149 = vector.load %arg10[%get3A_147, %get3A_148] : memref<1x1536xf32, #tpu.memory_space<vmem>>, vector<1x1536xf32>
    %get3A_150 = vector.shape_cast %get3A_149 : vector<1x1536xf32> to vector<1536xf32>
    %broadcast_in_dim3A_151 = vector.shape_cast %get3A_150 : vector<1536xf32> to vector<1x1536xf32>
    %add3A_152 = vector.broadcast %broadcast_in_dim3A_151 : vector<1x1536xf32> to vector<256x1536xf32>
    %add3A_153 = arith.addf %mul3A_146, %add3A_152 : vector<256x1536xf32>
    %swap3A = arith.constant 0 : index
    %swap3A_154 = arith.constant 0 : index
    %swap3A_155 = arith.constant 0 : index
    %swap3A_156 = vector.load %arg11[%swap3A, %swap3A_154, %swap3A_155] : memref<1x256x1536xf32, #tpu.memory_space<vmem>>, vector<1x256x1536xf32>
    %swap3A_157 = vector.shape_cast %swap3A_156 : vector<1x256x1536xf32> to vector<256x1536xf32>
    %swap3A_158 = vector.shape_cast %add3A_153 : vector<256x1536xf32> to vector<1x256x1536xf32>
    tpu.vector_store %arg11[%swap3A, %swap3A_154, %swap3A_155], %swap3A_158 {strides = array<i32>} : memref<1x256x1536xf32, #tpu.memory_space<vmem>>, vector<1x256x1536xf32>,
    return
  }
  func.func @transform_0(%arg0: i32) -> (i32, i32, i32) {
    %c0_i32 = arith.constant 0 : i32
    %c0_i32_0 = arith.constant 0 : i32
    %c0_i32_1 = arith.constant 0 : i32
    return %arg0, %c0_i32, %c0_i32_0 : i32, i32, i32
  }
  func.func @transform_1(%arg0: i32) -> (i32, i32, i32) {
    %c0_i32 = arith.constant 0 : i32
    %c0_i32_0 = arith.constant 0 : i32
    %c0_i32_1 = arith.constant 0 : i32
    return %arg0, %c0_i32, %c0_i32_0 : i32, i32, i32
  }
  func.func @transform_2(%arg0: i32) -> (i32, i32, i32) {
    %c0_i32 = arith.constant 0 : i32
    %c0_i32_0 = arith.constant 0 : i32
    %c0_i32_1 = arith.constant 0 : i32
    return %arg0, %c0_i32, %c0_i32_0 : i32, i32, i32
  }
  func.func @transform_3(%arg0: i32) -> (i32, i32) {
    %c0_i32 = arith.constant 0 : i32
    %c0_i32_0 = arith.constant 0 : i32
    %c0_i32_1 = arith.constant 0 : i32
    return %c0_i32, %c0_i32_0 : i32, i32
  }
  func.func @transform_4(%arg0: i32) -> (i32, i32) {
    %c0_i32 = arith.constant 0 : i32
    %c0_i32_0 = arith.constant 0 : i32
    %c0_i32_1 = arith.constant 0 : i32
    return %c0_i32, %c0_i32_0 : i32, i32
  }
  func.func @transform_5(%arg0: i32) -> (i32, i32) {
    %c0_i32 = arith.constant 0 : i32
    %c0_i32_0 = arith.constant 0 : i32
    %c0_i32_1 = arith.constant 0 : i32
    return %c0_i32, %c0_i32_0 : i32, i32
  }
  func.func @transform_6(%arg0: i32) -> (i32, i32) {
    %c0_i32 = arith.constant 0 : i32
    %c0_i32_0 = arith.constant 0 : i32
    %c0_i32_1 = arith.constant 0 : i32
    return %c0_i32, %c0_i32_0 : i32, i32
  }
  func.func @transform_7(%arg0: i32) -> (i32, i32) {
    %c0_i32 = arith.constant 0 : i32
    %c0_i32_0 = arith.constant 0 : i32
    %c0_i32_1 = arith.constant 0 : i32
    return %c0_i32, %c0_i32_0 : i32, i32
  }
  func.func @transform_8(%arg0: i32) -> (i32, i32) {
    %c0_i32 = arith.constant 0 : i32
    %c0_i32_0 = arith.constant 0 : i32
    %c0_i32_1 = arith.constant 0 : i32
    return %c0_i32, %c0_i32_0 : i32, i32
  }
  func.func @transform_9(%arg0: i32) -> (i32, i32) {
    %c0_i32 = arith.constant 0 : i32
    %c0_i32_0 = arith.constant 0 : i32
    %c0_i32_1 = arith.constant 0 : i32
    return %c0_i32, %c0_i32_0 : i32, i32
  }
  func.func @transform_10(%arg0: i32) -> (i32, i32, i32) {
    %c0_i32 = arith.constant 0 : i32
    %c0_i32_0 = arith.constant 0 : i32
    %c0_i32_1 = arith.constant 0 : i32
    return %arg0, %c0_i32, %c0_i32_0 : i32, i32, i32
  }
}

</mosaic_0001>

<sc_bundles>
// kernel: kernel.6.cloned.1.call-start
scs
__scs_entry_jumppad:
0x0: {  	(pc) =	sbr.rel $0x88, $3  }
0x1: {  	(tag) =	ssettag $0x0;
	lr =	simm.s32 $0x1  }
0x2: {  	[smem:$0x3F93] =	sst lr;
	_ =	strace $0xD0000000  }
0x3: {  	_ = 	snop  }
0x4: {  	_ = 	snop  }
0x5: {  	_ = 	snop  }
0x6: {  	_ = 	snop  }
0x7: {  	_ = 	snop  }
__scs_overlays_trampoline_lowered:
0x8: {  	[smem:$0x3FA2] =	sst s0  }
0x9: {  	[smem:$0x3FA3] =	sst s1  }
0xa: {  	[smem:$0x3FA4] =	sst s2  }
0xb: {  	[smem:$0x3FA5] =	sst s3  }
0xc: {  	[smem:$0x3FA6] =	sst s4  }
0xd: {  	[smem:$0x3FA7] =	sst s5  }
0xe: {  	[smem:$0x3FA8] =	sst s6  }
0xf: {  	[smem:$0x3FA9] =	sst s7  }
0x10: {  	[smem:$0x3FAA] =	sst s8  }
0x11: {  	[smem:$0x3FAB] =	sst s9;
	s0 =	simm.s32 @!p0 $0x0  }
0x12: {  	s1 =	sld [smem:$0x3F91];
	s0 =	simm.s32 @p0 $0x1  }
0x13: {  	[smem:$0x3FAC] =	sst s0;
	s0 =	simm.s32 @!p1 $0x0  }
0x14: {  	s2 =	sld [smem:$0x3F90];
	s0 =	simm.s32 @p1 $0x1  }
0x15: {  	[smem:$0x3FAD] =	sst s0;
	s0 =	simm.s32 @!p2 $0x0  }
0x16: {  	s3 =	sld [smem:$0x3FDB];
	s0 =	simm.s32 @p2 $0x1  }
0x17: {  	s4 =	simm.s32 $0x1BF5;
	[smem:$0x3FAF] =	sst s0  }
0x18: {  	s0 =	sld [smem:$0x3F92];
	_ =	swait.ge [sflag:s4], $0x0  }
0x19: {  	s7 =	sld [smem:$0x3F93]  }
0x1a: {  	s8 =	sadd.s32 $0xFFFFE003, lr  }
0x1b: {  	s9 =	sadd.s32 $0xFFFFFEF7, lr;
	s5 =	simm.s32 $0xFFFFFFFF;
	p2 =	slt.u32 s8, $0xFFFFF086  }
0x1c: {  	p1 =	slt.u32 s9, $0xF7A;
	s5 =	simm.s32 @!p2 $0x0  }
0x1d: {  	s5 =	simm.s32 @p1 $0x1;
	p0 =	seq.s32 s7, s2  }
0x1e: {  	s7 =	smul.u32 @!p0 $0xF7A, s2;
	p2 =	seq.s32 @!p0 s5, $0x0  }
0x1f: {  	s9 =	smul.u32 $0xF7A, s1;
	s8 =	simm.s32 @!p0 $0x1BF5;
	p2 =	por !p2, p0  }
0x20: {  	[sflag:s8] =	ssyncset.s32 @!p0 $0xFFFFF086;
	s6 =	sadd.s32 @!p0 s3, s7;
	s7 =	simm.s32 @!p0 $0x108  }
0x21: {  	s3 =	sadd.s32 s3, s9;
	s6 =	sadd.s32 @!p0 $0x88, s6;
	s7 =	simm.s32 @p2 $0x1082  }
0x22: {  	[simem:s7], [sflag:s8] =	dma.local @!p0 [hbm:s6], $0xF7A  }
0x23: {  	s9 =	sor.u32 $0xD0000000, s2;
	s6 =	simm.s32 $0x108;
	_ =	swait.ge @!p0 [sflag:s8], $0x0  }
0x24: {  	s3 =	sadd.s32 $0x88, s3;
	s6 =	simm.s32 @!p1 $0x1082;
	[sflag:s4] =	ssyncset.s32 $0xFFFFF086  }
0x25: {  	[simem:s6], [sflag:s4] =	dma.local [hbm:s3], $0xF7A  }
0x26: {  	[smem:$0x3F93] =	sst s1;
	(tag) =	ssettag s2;
	_ =	strace s9  }
0x27: {  	s1 =	sld [smem:$0x3FA3]  }
0x28: {  	s2 =	sld [smem:$0x3FA4]  }
0x29: {  	s4 =	sld [smem:$0x3FA6]  }
0x2a: {  	p0 =	seq.s32 s5, $0x0;
	s5 =	sld [smem:$0x3FA7]  }
0x2b: {  	s6 =	sld [smem:$0x3FA8]  }
0x2c: {  	s7 =	sld [smem:$0x3FA9]  }
0x2d: {  	s3 =	simm.s32 $0x108;
	s8 =	sld [smem:$0x3FAA]  }
0x2e: {  	s3 =	simm.s32 @!p0 $0x1082;
	s9 =	sld [smem:$0x3FAB]  }
0x2f: {  	lr =	sadd.s32 s0, s3;
	s0 =	sld [smem:$0x3FA2]  }
0x30: {  	s3 =	sld [smem:$0x3FA5]  }
0x31: {  	[smem:$0x3FAE] =	sst s10  }
0x32: {  	s10 =	sld [smem:$0x3FAC];
	_ =	sdelay $0x3  }
0x33: {  	p0 =	seq.s32 s10, $0x1;
	s10 =	sld [smem:$0x3FAE];
	_ =	sdelay $0x3  }
0x34: {  	[smem:$0x3FAE] =	sst s10  }
0x35: {  	s10 =	sld [smem:$0x3FAD];
	_ =	sdelay $0x3  }
0x36: {  	p1 =	seq.s32 s10, $0x1;
	s10 =	sld [smem:$0x3FAE];
	_ =	sdelay $0x3  }
0x37: {  	[smem:$0x3FAE] =	sst s10  }
0x38: {  	s10 =	sld [smem:$0x3FAF]  }
0x39: {  	_ = 	snop;
	(pc) =	sbr.ind lr, $3  }
0x3a: {  	_ = 	snop  }
0x3b: {  	_ = 	snop  }
0x3c: {  	p2 =	seq.s32 s10, $0x1;
	s10 =	sld [smem:$0x3FAE]  }
0x3d: {  	_ =	shalt  }
0x3e: {  	_ =	shalt  }
0x3f: {  	_ =	shalt  }
0x40: {  	_ =	shalt  }
0x41: {  	_ =	shalt  }
0x42: {  	_ =	shalt  }
0x43: {  	_ =	shalt  }
0x44: {  	_ =	shalt  }
0x45: {  	_ =	shalt  }
0x46: {  	_ =	shalt  }
0x47: {  	_ =	shalt  }
0x48: {  	_ =	shalt  }
0x49: {  	_ =	shalt  }
0x4a: {  	_ =	shalt  }
0x4b: {  	_ =	shalt  }
0x4c: {  	_ =	shalt  }
0x4d: {  	_ =	shalt  }
0x4e: {  	_ =	shalt  }
0x4f: {  	_ =	shalt  }
0x50: {  	_ =	shalt  }
0x51: {  	_ =	shalt  }
0x52: {  	_ =	shalt  }
0x53: {  	_ =	shalt  }
0x54: {  	_ =	shalt  }
0x55: {  	_ =	shalt  }
0x56: {  	_ =	shalt  }
0x57: {  	_ =	shalt  }
0x58: {  	_ =	shalt  }
0x59: {  	_ =	shalt  }
0x5a: {  	_ =	shalt  }
0x5b: {  	_ =	shalt  }
0x5c: {  	_ =	shalt  }
0x5d: {  	_ =	shalt  }
0x5e: {  	_ =	shalt  }
0x5f: {  	_ =	shalt  }
0x60: {  	_ =	shalt  }
0x61: {  	_ =	shalt  }
0x62: {  	_ =	shalt  }
0x63: {  	_ =	shalt  }
0x64: {  	_ =	shalt  }
0x65: {  	_ =	shalt  }
0x66: {  	_ =	shalt  }
0x67: {  	_ =	shalt  }
0x68: {  	_ =	shalt  }
0x69: {  	_ =	shalt  }
0x6a: {  	_ =	shalt  }
0x6b: {  	_ =	shalt  }
0x6c: {  	_ =	shalt  }
0x6d: {  	_ =	shalt  }
0x6e: {  	_ =	shalt  }
0x6f: {  	_ =	shalt  }
0x70: {  	_ =	shalt  }
0x71: {  	_ =	shalt  }
0x72: {  	_ =	shalt  }
0x73: {  	_ =	shalt  }
0x74: {  	_ =	shalt  }
0x75: {  	_ =	shalt  }
0x76: {  	_ =	shalt  }
0x77: {  	_ =	shalt  }
0x78: {  	_ =	shalt  }
0x79: {  	_ =	shalt  }
0x7a: {  	_ =	shalt  }
0x7b: {  	_ =	shalt  }
0x7c: {  	_ =	shalt  }
0x7d: {  	_ =	shalt  }
0x7e: {  	_ =	shalt  }
0x7f: {  	_ =	shalt  }
0x80: {  	_ =	shalt  }
0x81: {  	_ =	shalt  }
0x82: {  	_ =	shalt  }
0x83: {  	_ =	shalt  }
0x84: {  	_ =	shalt  }
0x85: {  	_ =	shalt  }
0x86: {  	_ =	shalt  }
0x87: {  	_ =	shalt  }
.Lfunc_end0:
.L_simem_size_0:
called_computation_lowered:
.L_overlay_start_0:
0x88: {  	s2 =	sld [smem:$0x3FD9]  }
0x89: {  	s3 =	sld [smem:$0x3FFE];
	_ =	sdelay $0x1  }
0x8a: {  	s1 =	srdreg.scid  }
0x8b: {  	s0 =	sand.u32 $0x1, s1  }
0x8c: {  	s17 =	sshll.u32 s0, $0xA;
	s2 =	sadd.s32 s3, s2  }
0x8d: {  	s2 =	sadd.s32 s2, s17  }
0x8e: {  	[smem:$0x3FBA] =	sst s2  }
0x8f: {  	_ = 	snop  }
0x90: {  	s2 =	sld [smem:$0x3FC3]  }
0x91: {  	s18 =	sld [smem:$0x3FD0];
	(tm) =	ssettm $0x1  }
0x92: {  	s4 =	sld [smem:$0x3FFB];
	_ =	sdelay $0x3  }
0x93: {  	_ =	strace s4  }
0x94: {  	s4 =	sld [smem:$0x3FFC];
	_ =	sdelay $0x3  }
0x95: {  	_ =	strace s4  }
0x96: {  	s4 =	sld [smem:$0x3FFD];
	_ =	sdelay $0x3  }
0x97: {  	_ =	strace s4  }
0x98: {  	_ =	strace $0x8FFFFFFF  }
0x99: {  	s19 =	sld [smem:$0x3FDB];
	_ =	sdelay $0x1  }
0x9a: {  	s5 =	simm.s32 $_scs_section_size  }
0x9b: {  	s6 =	simm.s32 $_size__tile_overlayer_lowered;
	s7 =	simm.s32 $_tile_overlayer_lowered  }
0x9c: {  	s22 =	simm.s32 $0x1BFF;
	s21 =	sshll.u32 s7, $0x1;
	s4 =	sadd.s32 s5, s19  }
0x9d: {  	s8 =	simm.s32 $0x0;
	s20 =	sshll.u32 s6, $0x1;
	s6 =	sadd.s32 s21, s4  }
0x9e: {  	[timem:s8], [sflag:s22] =	dma.local [hbm:s6], s20  }
0x9f: {  	_ =	swait.ge [sflag:s22], s20  }
0xa0: {  	s5 =	ssub.s32 $0x0, s20;
	[sflag:s22] =	ssyncset.done $0x0  }
0xa1: {  	[sflag:s22] =	ssyncadd.s32 s5;
	_ =	sdelay $0x1  }
0xa2: {  	s23 =	simm.s32 $0x1B8B  }
0xa3: {  	_ =	swait.ge [sflag:s23], $0x1  }
0xa4: {  	[sflag:s23] =	ssyncset.done $0x0  }
0xa5: {  	s25 =	simm.s32 $0x1B8E;
	s24 =	sld [smem:$0x3FFE];
	[sflag:s23] =	ssyncadd.s32 $0xFFFFFFFF  }
0xa6: {  	s26 =	simm.s32 $execute0_lowered;
	[smem:$0x3FD2] =	sst s25  }
0xa7: {  	s6 =	sshll.u32 s26, $0x1;
	_ =	strace $0x80000046;
	[dreg:$0x1] =	wrdreg $0xFFFFFFFF  }
0xa8: {  	s28 =	simm.s32 $_size_execute0_lowered;
	s4 =	sadd.s32 s4, s6;
	[dreg:$0x0] =	wrdreg $0x0  }
0xa9: {  	s6 =	sshll.u32 s28, $0x1;
	[dreg:$0x2] =	wrdreg s4  }
0xaa: {  	[dreg:$0x3] =	wrdreg s6  }
0xab: {  	[dreg:$0x4] =	wrdreg $0xC0  }
0xac: {  	_ =	task [dreg:s8], $0x5FFFF  }
0xad: {  	[dreg:$0x1] =	wrdreg $0xFFFFFFFF  }
0xae: {  	[dreg:$0x0] =	wrdreg $0x60  }
0xaf: {  	[dreg:$0x2] =	wrdreg s24  }
0xb0: {  	[dreg:$0x3] =	wrdreg s2  }
0xb1: {  	[dreg:$0x4] =	wrdreg s18  }
0xb2: {  	[dreg:$0x5] =	wrdreg $0x9  }
0xb3: {  	_ =	task.clear_ibuf [dreg:s8], $0x6FFFF;
	_ =	strace $0x90000046  }
0xb4: {  	s29 =	simm.s32 $0x9;
	_ =	strace $0x80000048  }
0xb5: {  	_ =	swait.ge [sflag:s29], $0x1  }
0xb6: {  	[sflag:s29] =	ssyncadd.s32 $0xFFFFFFFF  }
0xb7: {  	_ =	strace $0x90000048  }
0xb8: {  	_ =	sfence  }
0xb9: {  	s30 =	sld [smem:$0x0];
	_ =	sdelay $0x2  }
0xba: {  	s31 =	sshll.u32 s1, $0xD;
	s1 =	sshrl.u32 s1, $0x2  }
0xbb: {  	s3 =	sand.u32 $0x4000, s31;
	s1 =	sadd.s32 s1, s30  }
0xbc: {  	s0 =	sor.u32 s3, s0;
	s1 =	sshll.u32 s1, $0x11  }
0xbd: {  	s0 =	sor.u32 s1, s0  }
0xbe: {  	s0 =	sadd.s32 $0x8F2B, s0  }
0xbf: {  	[sflag:s0] =	ssyncadd.remote.s32 $0x1  }
0xc0: {  	_ =	sfence.sel $0xFFFF  }
0xc1: {  	[dreg:$0x0] =	wrdreg $0xFFFFFFFF;
	(pc) =	sbr.abs _section_cstart, $3  }
0xc2: {  	[dreg:$0x1] =	wrdreg $0xFFFFFFFF  }
0xc3: {  	_ =	task.clear_ibuf [dreg:s8], $0x2FFFF;
	_ =	strace $0x9FFFFFFF  }
0xc4: {  	(tm) =	ssettm $0x7FFFFFFF  }
0xc5: {  	_ =	shalt  }
tec
execute0_lowered:
.L_overlay_start_1:
0x0: {  	(tag) =	ssettag $0x1  }
0x1: {  	s0 =	rddreg [dreg:$0x0]  }
0x2: {  	s2 =	rddreg [dreg:$0x1]  }
0x3: {  	s8 =	rddreg [dreg:$0x2]  }
0x4: {  	s3 =	srdreg.scid;
	s1 =	stileid.u32  }
0x5: {  	s23 =	simm.s32 $0x880;
	s24 =	simm.s32 $0x1080;
	s25 =	simm.s32 $0x1880  }
0x6: {  	s11 =	simm.s32 $0x80;
	s26 =	simm.s32 $0x2080;
	s13 =	simm.s32 $0x3080  }
0x7: {  	s14 =	simm.s32 $0x3880;
	s15 =	simm.s32 $0x4080;
	s16 =	simm.s32 $0x4880  }
0x8: {  	s17 =	simm.s32 $0x5080;
	s18 =	simm.s32 $0x5880;
	s19 =	simm.s32 $0x6080  }
0x9: {  	s20 =	simm.s32 $0x6880;
	s28 =	simm.s32 $0xA080;
	s29 =	simm.s32 $0xA880  }
0xa: {  	s30 =	simm.s32 $0xB080;
	s4 =	sand.u32 $0x1, s3;
	s3 =	simm.s32 $0x0  }
0xb: {  	s31 =	simm.s32 $0xB880;
	s6 =	sshll.u32 s1, $0x2;
	[smem:$0x7FF] =	sst s3  }
0xc: {  	s7 =	sadd.s32 $0x400, s2;
	_ =	strace $0x80000047;
	[dreg:$0x6] =	wrdreg s23  }
0xd: {  	s5 =	sshll.u32 s4, $0x6;
	s4 =	ssub.s32 $0x2, s4;
	[dreg:$0x7] =	wrdreg s24  }
0xe: {  	s5 =	sor.u32 s6, s5;
	s21 =	sshrl.u32 s4, $0x1;
	[dreg:$0x8] =	wrdreg s25  }
0xf: {  	s6 =	sadd.s32 $0x300, s2;
	[dreg:$0x9] =	wrdreg s26;
	s23 =	simm.s32 $0x8080  }
0x10: {  	s24 =	simm.s32 $0x8880;
	s25 =	simm.s32 $0x9080;
	s26 =	simm.s32 $0x9880  }
0x11: {  	s0 =	sadd.s32 s5, s0;
	s9 =	ssub.s32 s4, s21;
	s10 =	smul.u32 $0x600, s5  }
0x12: {  	s4 =	sadd.s32 $0x100, s2;
	s5 =	sadd.s32 $0x200, s2;
	s0 =	sadd.s32 $0x2C00, s0  }
0x13: {  	v2 =	vlaneseq.u32;
	s21 =	simm.s32 $0x7080;
	s9 =	smax.u32 s9, $0x1;
	[dreg:$0x4] =	wrdreg s0  }
0x14: {  	vm0 =	vmmov $0xffff;
	v1 =	vshrl.u32 v2, $0x3;
	s22 =	sadd.s32 s8, s10;
	s8 =	sadd.s32 $0x500, s2;
	s10 =	simm.s32 $0x2  }
0x15: {  	v0 =	vand.u32 $0x7, v2;
	v2 =	vor.u32 $0x8, v2;
	v1 =	vmul.u32 $0x8, v1;
	s0 =	simm.s32 $0x1;
	[dreg:$0x5] =	wrdreg s22;
	s22 =	simm.s32 $0x7880  }
.LBB2_1:
0x16: {  	s1 =	rddreg [dreg:$0x4]  }
0x17: {  	[tilespmem:s3], [sflag:$0x2] =	stream.linear.gather [hbm4b:s1+s3], $0x20, $0x38;
	[tilespmem:$0xC080] =	vst v63  }
0x18: {  	_ =	swait.ge [sflag:s10], $0x20  }
0x19: {  	[sflag:s10] =	ssyncset.done $0x0  }
0x1a: {  	[sflag:s10] =	ssyncadd.s32 $0xFFFFFFE0  }
0x1b: {  	v3 =	vld [tilespmem:$0x0];
	_ =	sdelay $0x4  }
0x1c: {  	v4 =	vshrl.u32 v3, $0x3  }
0x1d: {  	v4 =	vmul.u32 $0x60, v4  }
0x1e: {  	v3 =	vand.u32 $0x7, v3  }
0x1f: {  	v3 =	vor.u32 v3, v4  }
0x20: {  	v4 =	vperm.xlane v3, v0;
	_ =	sdelay $0x1  }
0x21: {  	v4 =	vadd.s32 v1, v4;
	_ =	sdelay $0x4  }
0x22: {  	[tilespmem:s11], [sflag:$0x1] =	stream.indirect_vreg.gather [hbm4b:s2+s3], $0x80, v4, vm0, $0xb8;
	[tilespmem:$0xC080] =	vst v63  }
0x23: {  	s1 =	rddreg [dreg:$0x6]  }
0x24: {  	[tilespmem:s1], [sflag:$0x1] =	stream.indirect_vreg.gather [hbm4b:s4+s3], $0x80, v4, vm0, $0xb8;
	[tilespmem:$0xC080] =	vst v63  }
0x25: {  	s12 =	rddreg [dreg:$0x7]  }
0x26: {  	[tilespmem:s12], [sflag:$0x1] =	stream.indirect_vreg.gather [hbm4b:s5+s3], $0x80, v4, vm0, $0xb8;
	[tilespmem:$0xC080] =	vst v63  }
0x27: {  	v3 =	vperm.xlane v3, v2;
	s1 =	rddreg [dreg:$0x8]  }
0x28: {  	[tilespmem:s1], [sflag:$0x1] =	stream.indirect_vreg.gather [hbm4b:s6+s3], $0x80, v4, vm0, $0xb8;
	[tilespmem:$0xC080] =	vst v63  }
0x29: {  	v3 =	vadd.s32 v1, v3;
	s12 =	rddreg [dreg:$0x9]  }
0x2a: {  	[tilespmem:s12], [sflag:$0x1] =	stream.indirect_vreg.gather [hbm4b:s7+s3], $0x80, v4, vm0, $0xb8;
	[tilespmem:$0xC080] =	vst v63  }
0x2b: {  	s12 =	simm.s32 $0x2880  }
0x2c: {  	[tilespmem:s12], [sflag:$0x1] =	stream.indirect_vreg.gather [hbm4b:s8+s3], $0x80, v4, vm0, $0xb8;
	[tilespmem:$0xC080] =	vst v63  }
0x2d: {  	_ = 	snop  }
0x2e: {  	[tilespmem:s13], [sflag:$0x1] =	stream.indirect_vreg.gather [hbm4b:s2+s3], $0x80, v3, vm0, $0xb8;
	[tilespmem:$0xC080] =	vst v63  }
0x2f: {  	_ = 	snop  }
0x30: {  	[tilespmem:s14], [sflag:$0x1] =	stream.indirect_vreg.gather [hbm4b:s4+s3], $0x80, v3, vm0, $0xb8;
	[tilespmem:$0xC080] =	vst v63  }
0x31: {  	_ = 	snop  }
0x32: {  	[tilespmem:s15], [sflag:$0x1] =	stream.indirect_vreg.gather [hbm4b:s5+s3], $0x80, v3, vm0, $0xb8;
	[tilespmem:$0xC080] =	vst v63  }
0x33: {  	_ = 	snop  }
0x34: {  	[tilespmem:s16], [sflag:$0x1] =	stream.indirect_vreg.gather [hbm4b:s6+s3], $0x80, v3, vm0, $0xb8;
	[tilespmem:$0xC080] =	vst v63  }
0x35: {  	_ = 	snop  }
0x36: {  	[tilespmem:s17], [sflag:$0x1] =	stream.indirect_vreg.gather [hbm4b:s7+s3], $0x80, v3, vm0, $0xb8;
	[tilespmem:$0xC080] =	vst v63  }
0x37: {  	_ = 	snop  }
0x38: {  	[tilespmem:s18], [sflag:$0x1] =	stream.indirect_vreg.gather [hbm4b:s8+s3], $0x80, v3, vm0, $0xb8;
	[tilespmem:$0xC080] =	vst v63  }
0x39: {  	v3 =	vld [tilespmem:$0x10];
	_ =	sdelay $0x4  }
0x3a: {  	v63 =	vshrl.u32 v3, $0x3  }
0x3b: {  	v4 =	vmul.u32 $0x60, v63  }
0x3c: {  	v3 =	vand.u32 $0x7, v3  }
0x3d: {  	v3 =	vor.u32 v3, v4  }
0x3e: {  	v4 =	vperm.xlane v3, v0;
	_ =	sdelay $0x1  }
0x3f: {  	v4 =	vadd.s32 v1, v4;
	_ =	sdelay $0x4  }
0x40: {  	[tilespmem:s19], [sflag:$0x1] =	stream.indirect_vreg.gather [hbm4b:s2+s3], $0x80, v4, vm0, $0xb8;
	[tilespmem:$0xC080] =	vst v63  }
0x41: {  	_ = 	snop  }
0x42: {  	[tilespmem:s20], [sflag:$0x1] =	stream.indirect_vreg.gather [hbm4b:s4+s3], $0x80, v4, vm0, $0xb8;
	[tilespmem:$0xC080] =	vst v63  }
0x43: {  	_ = 	snop  }
0x44: {  	[tilespmem:s21], [sflag:$0x1] =	stream.indirect_vreg.gather [hbm4b:s5+s3], $0x80, v4, vm0, $0xb8;
	[tilespmem:$0xC080] =	vst v63  }
0x45: {  	v3 =	vperm.xlane v3, v2  }
0x46: {  	[tilespmem:s22], [sflag:$0x1] =	stream.indirect_vreg.gather [hbm4b:s6+s3], $0x80, v4, vm0, $0xb8;
	[tilespmem:$0xC080] =	vst v63  }
0x47: {  	v3 =	vadd.s32 v1, v3  }
0x48: {  	[tilespmem:s23], [sflag:$0x1] =	stream.indirect_vreg.gather [hbm4b:s7+s3], $0x80, v4, vm0, $0xb8;
	[tilespmem:$0xC080] =	vst v63  }
0x49: {  	_ = 	snop  }
0x4a: {  	[tilespmem:s24], [sflag:$0x1] =	stream.indirect_vreg.gather [hbm4b:s8+s3], $0x80, v4, vm0, $0xb8;
	[tilespmem:$0xC080] =	vst v63  }
0x4b: {  	_ = 	snop  }
0x4c: {  	[tilespmem:s25], [sflag:$0x1] =	stream.indirect_vreg.gather [hbm4b:s2+s3], $0x80, v3, vm0, $0xb8;
	[tilespmem:$0xC080] =	vst v63  }
0x4d: {  	_ = 	snop  }
0x4e: {  	[tilespmem:s26], [sflag:$0x1] =	stream.indirect_vreg.gather [hbm4b:s4+s3], $0x80, v3, vm0, $0xb8;
	[tilespmem:$0xC080] =	vst v63  }
0x4f: {  	_ = 	snop  }
0x50: {  	[tilespmem:s28], [sflag:$0x1] =	stream.indirect_vreg.gather [hbm4b:s5+s3], $0x80, v3, vm0, $0xb8;
	[tilespmem:$0xC080] =	vst v63  }
0x51: {  	_ = 	snop  }
0x52: {  	[tilespmem:s29], [sflag:$0x1] =	stream.indirect_vreg.gather [hbm4b:s6+s3], $0x80, v3, vm0, $0xb8;
	[tilespmem:$0xC080] =	vst v63  }
0x53: {  	_ = 	snop  }
0x54: {  	[tilespmem:s30], [sflag:$0x1] =	stream.indirect_vreg.gather [hbm4b:s7+s3], $0x80, v3, vm0, $0xb8;
	[tilespmem:$0xC080] =	vst v63  }
0x55: {  	_ = 	snop  }
0x56: {  	[tilespmem:s31], [sflag:$0x1] =	stream.indirect_vreg.gather [hbm4b:s8+s3], $0x80, v3, vm0, $0xb8;
	[tilespmem:$0xC080] =	vst v63  }
0x57: {  	_ =	swait.ge [sflag:s0], $0xC000  }
0x58: {  	p0 =	sne.s32 s9, $0x1;
	[sflag:s0] =	ssyncset.done $0x0  }
.Ltmp0:
0x59: {  	s12 =	rddreg [dreg:$0x5];
	[sflag:s0] =	ssyncadd.s32 $0xFFFF4000;
	(pc) =	sbr.rel @p0 .LBB2_1-.Ltmp0, $4  }
0x5a: {  	[hbm4b:s12+s3] =	stream.linear.scatter [tilespmem:s11], [sflag:$0x2], $0xC000, $0x38;
	[tilespmem:$0xC080] =	vst v63  }
0x5b: {  	_ =	swait.ge [sflag:s10], $0xC000  }
0x5c: {  	[sflag:s10] =	ssyncset.done $0x0  }
0x5d: {  	s9 =	sadd.s32 $0xFFFFFFFF, s9;
	[sflag:s10] =	ssyncadd.s32 $0xFFFF4000  }
0x5e: {  	_ =	sfence.sel $0x180000  }
0x5f: {  	[bflag:$0x0] =	sbarrier.arrive $0xFFFF  }
0x60: {  	_ =	strace $0x90000047  }
0x61: {  	s0 =	stileid.u32;
	[bflag:$0x2] =	sbarrier.arrive $0xFFFF  }
0x62: {  	p0 =	sne.s32 s0, $0x0;
	s0 =	rddreg [dreg:$0x3]  }
0x63: {  	s0 =	sadd.s32 @!p0 $0x100000, s0  }
0x64: {  	[sflag:s0] =	ssyncadd.tile.s32 @!p0 $0x1;
	_ =	shalt  }
.Lfunc_end2:
_tile_overlayer_lowered:
.L_overlay_start_2:
0x65: {  	(tag) =	ssettag $0x2  }
0x66: {  	s0 =	rddreg [dreg:$0x0];
	s2 =	stileid.u32  }
0x67: {  	s1 =	rddreg [dreg:$0x1];
	p0 =	sne.s32 s2, $0x0  }
0x68: {  	s3 =	rddreg [dreg:$0x2];
	[bflag:$0x3] =	sbarrier.arrive $0xFFFF;
	s2 =	simm.s32 @!p0 $0x1C02  }
0x69: {  	[timem:s3], [sflag:s2] =	dma.local @!p0 [hbm:s0], s1  }
0x6a: {  	s0 =	simm.s32 @!p0 $0x2  }
0x6b: {  	_ =	swait.ge @!p0 [sflag:s0], s1  }
0x6c: {  	s1 =	ssub.s32 @!p0 $0x0, s1;
	[sflag:s0] =	ssyncset.done @!p0 $0x0  }
0x6d: {  	[sflag:s0] =	ssyncadd.s32 @!p0 s1  }
0x6e: {  	[bflag:$0x3] =	sbarrier.arrive $0xFFFF  }
0x6f: {  	_ =	shalt  }

</sc_bundles>
